<compile_context>
chip_gen: v7x
topology: tpu7x:2x2x1
jax: 0.10.2.dev20260603
libtpu: 0.0.44.dev20260713+nightly
codegen_flags: <defaults>
</compile_context>

<pallas_src>
import functools

import jax
import jax.numpy as jnp
from jax import lax
from jax.experimental import pallas as pl
from jax.experimental.pallas import tpu as pltpu
from jax.experimental.pallas import tpu_sc as plsc


def _make_gather(batch: int, hist: int, dim: int):
    n_workers = 32
    hb = 4
    b_lo = 128
    h_hi, h_lo = hist // 8, 8
    d_hi, d_lo = dim // 8, 8
    n_rounds = hist // hb
    rows = hb * b_lo
    bp = b_lo + 1
    mesh = plsc.VectorSubcoreMesh(core_axis_name="c", subcore_axis_name="s")

    @functools.partial(
        pl.kernel,
        mesh=mesh,
        out_type=jax.ShapeDtypeStruct((hist, d_hi, n_workers, d_lo, b_lo), jnp.float32),
        scratch_types=[
            pltpu.VMEM((h_hi, h_lo, b_lo), jnp.int32),
            pltpu.VMEM((rows, dim), jnp.float32),
            pltpu.VMEM((rows, dim), jnp.float32),
            pltpu.VMEM((hb, d_hi, d_lo, bp), jnp.float32),
            pltpu.VMEM((hb, d_hi, d_lo, bp), jnp.float32),
            pltpu.SemaphoreType.DMA,
            pltpu.SemaphoreType.DMA,
            pltpu.SemaphoreType.DMA,
        ],
        compiler_params=pltpu.CompilerParams(
            use_tc_tiling_on_sc=False, needs_layout_passes=False
        ),
    )
    def gather(tab_hbm, ids6_hbm, out6_hbm, idx_v, gbuf_a, gbuf_b, obuf_a, obuf_b,
               gsem, ssem_a, ssem_b):
        wid = lax.axis_index("s") * 2 + lax.axis_index("c")
        pltpu.sync_copy(ids6_hbm.at[:, wid], idx_v)

        iota = lax.iota(jnp.int32, 16)
        dhi_lo = iota // d_lo
        dlo_lo = iota % d_lo
        dhi_hi = (iota + 16) // d_lo
        dlo_hi = (iota + 16) % d_lo

        def issue_gathers(r, gbuf):
            for hl in range(hb):
                h = r * hb + hl
                pltpu.async_copy(
                    tab_hbm.at[idx_v.at[h // h_lo, h % h_lo]],
                    gbuf.at[pl.ds(hl * b_lo, b_lo)],
                    gsem,
                )

        def drain_gathers(gbuf):
            pltpu.make_async_copy(tab_hbm.at[pl.ds(0, rows)], gbuf, gsem).wait()

        def extract(gbuf, obuf):
            def body(j, carry):
                hlv = jnp.full((16,), j // b_lo, jnp.int32)
                blov = jnp.full((16,), j % b_lo, jnp.int32)
                va = gbuf[j, pl.ds(0, 16)]
                vb = gbuf[j, pl.ds(16, 16)]
                plsc.store_scatter(obuf, [hlv, dhi_lo, dlo_lo, blov], va)
                plsc.store_scatter(obuf, [hlv, dhi_hi, dlo_hi, blov], vb)
                return carry

            lax.fori_loop(0, rows, body, 0)

        def start_store(r, obuf, sem):
            pltpu.async_copy(
                obuf.at[:, :, :, pl.ds(0, b_lo)],
                out6_hbm.at[pl.ds(r * hb, hb), :, wid],
                sem,
            )

        def wait_store(obuf, sem):
            pltpu.make_async_copy(
                obuf.at[:, :, :, pl.ds(0, b_lo)],
                out6_hbm.at[pl.ds(0, hb), :, wid],
                sem,
            ).wait()

        issue_gathers(0, gbuf_a)

        def body(gg, carry):
            r0 = gg * 2

            @pl.when(gg > 0)
            def _():
                wait_store(obuf_b, ssem_b)

            issue_gathers(r0 + 1, gbuf_b)
            drain_gathers(gbuf_a)

            @pl.when(gg > 0)
            def _():
                wait_store(obuf_a, ssem_a)

            extract(gbuf_a, obuf_a)
            start_store(r0, obuf_a, ssem_a)

            @pl.when(gg < n_rounds // 2 - 1)
            def _():
                issue_gathers(r0 + 2, gbuf_a)

            drain_gathers(gbuf_b)
            extract(gbuf_b, obuf_b)
            start_store(r0 + 1, obuf_b, ssem_b)
            return carry

        lax.fori_loop(0, n_rounds // 2, body, 0)
        wait_store(obuf_a, ssem_a)
        wait_store(obuf_b, ssem_b)

    return gather


def kernel(input_ids, table):
    batch, hist = input_ids.shape
    vocab, dim = table.shape
    assert batch % (32 * 128) == 0 and hist % 8 == 0 and dim == 32

    ids6 = (
        input_ids.astype(jnp.int32)
        .reshape(32, 128, hist // 8, 8)
        .transpose(2, 0, 3, 1)
    )
    gather = _make_gather(batch, hist, dim)
    out6 = gather(table, ids6)
    return out6.transpose(2, 4, 0, 1, 3).reshape(batch, hist, dim)

# --- scband reference (transcript-rebuilt; emitter-appended) ---
"""Pipeline reference for scband-token-embedding-2705829397299 (READ-ONLY COPY).

The authoritative reference and input builder live on the scoring server;
editing this copy changes nothing except your own understanding.
"""

import jax, jax.numpy as jnp
import numpy as np

VOCAB = 1000000
EMBED_DIM = 32
BATCH = 4096
HIST = 200

def setup_inputs(seed: int = 0) -> dict:
    key = jax.random.key(seed)
    k_idx, k_tab = jax.random.split(key)
    input_ids = jax.random.randint(k_idx, (BATCH, HIST), 0, VOCAB, dtype=jnp.int64 if jax.config.read('jax_enable_x64') else jnp.int32)
    table = jax.random.normal(k_tab, (VOCAB, EMBED_DIM), dtype=jnp.float32)
    return {"input_ids": input_ids, "table": table}

def reference(input_ids, table):
    # nn.Embedding forward: gather rows of the table by index
    return jnp.take(table, input_ids, axis=0)

if __name__ == "__main__":
    import jax
    _d = setup_inputs()
    print(jax.jit(kernel)(*tuple(_d.values())))

</pallas_src>

<mosaic_0001>
#map = affine_map<(d0, d1) -> (0, 0)>
#map1 = affine_map<(d0, d1) -> (0, 0, 0, 0)>
#map2 = affine_map<(d0, d1) -> (0, 0, 0, 0, 0)>
module attributes {stable_mosaic.version = 14 : i64} {
  func.func @gather(%arg0: i32, %arg1: i32, %arg2: memref<1000000x32xf32, #tpu.memory_space<hbm>>, %arg3: memref<25x32x8x128xi32, #tpu.memory_space<hbm>>, %arg4: memref<200x4x32x8x128xf32, #tpu.memory_space<hbm>>, %arg5: memref<25x8x128xi32, #tpu.memory_space<vmem>>, %arg6: memref<512x32xf32, #tpu.memory_space<vmem>>, %arg7: memref<512x32xf32, #tpu.memory_space<vmem>>, %arg8: memref<4x4x8x129xf32, #tpu.memory_space<vmem>>, %arg9: memref<4x4x8x129xf32, #tpu.memory_space<vmem>>, %arg10: memref<!tpu.dma_semaphore, #tpu.memory_space<semaphore_mem>>, %arg11: memref<!tpu.dma_semaphore, #tpu.memory_space<semaphore_mem>>, %arg12: memref<!tpu.dma_semaphore, #tpu.memory_space<semaphore_mem>>) attributes {dimension_semantics = [#tpu.dimension_semantics<core_parallel>, #tpu.dimension_semantics<subcore_parallel>], iteration_bounds = array<i64: 2, 16>, scalar_prefetch = 0 : i64, scratch_operands = 8 : i64, tpu.core_type = #tpu.core_type<sc_vector_subcore>, window_params = [{transform_indices = #map}, {transform_indices = #map1}, {transform_indices = #map2}]} {
    %mul3A = arith.constant 2 : i32
    %mul3A_0 = arith.muli %arg1, %mul3A : i32
    %add3A = arith.addi %mul3A_0, %arg0 : i32
    "tpu.region"() ({
      %run_scoped3A = tpu.sem_alloc : memref<!tpu.dma_semaphore, #tpu.memory_space<semaphore_mem>>
      %dma_start3A_194 = arith.constant 0 : i32
      %dma_start3A_195 = arith.constant 0 : i32
      %dma_start3A_196 = arith.constant 0 : i32
      %dma_start3A_197 = tpu.memref_slice %arg3[%dma_start3A_194, %add3A, %dma_start3A_195, %dma_start3A_196] : memref<25x32x8x128xi32, #tpu.memory_space<hbm>> -> memref<25x1x8x128xi32, #tpu.memory_space<hbm>>
      %dma_start3A_198 = tpu.memref_squeeze %dma_start3A_197 : memref<25x1x8x128xi32, #tpu.memory_space<hbm>> -> memref<25x8x128xi32, #tpu.memory_space<hbm>>
      %dma_start3A_199 = arith.constant 0 : i32
      %dma_start3A_200 = arith.constant 0 : i32
      %dma_start3A_201 = arith.constant 0 : i32
      %dma_start3A_202 = tpu.memref_slice %arg3[%dma_start3A_199, %add3A, %dma_start3A_200, %dma_start3A_201] : memref<25x32x8x128xi32, #tpu.memory_space<hbm>> -> memref<25x1x8x128xi32, #tpu.memory_space<hbm>>
      %dma_start3A_203 = tpu.memref_squeeze %dma_start3A_202 : memref<25x1x8x128xi32, #tpu.memory_space<hbm>> -> memref<25x8x128xi32, #tpu.memory_space<hbm>>
      tpu.enqueue_dma source(%dma_start3A_203 : memref<25x8x128xi32, #tpu.memory_space<hbm>>) target(%arg5 : memref<25x8x128xi32, #tpu.memory_space<vmem>>) target_semaphore(%run_scoped3A : memref<!tpu.dma_semaphore, #tpu.memory_space<semaphore_mem>>)
      %dma_wait3A_204 = arith.constant 0 : i32
      %dma_wait3A_205 = arith.constant 0 : i32
      %dma_wait3A_206 = arith.constant 0 : i32
      %dma_wait3A_207 = tpu.memref_slice %arg3[%dma_wait3A_204, %add3A, %dma_wait3A_205, %dma_wait3A_206] : memref<25x32x8x128xi32, #tpu.memory_space<hbm>> -> memref<25x1x8x128xi32, #tpu.memory_space<hbm>>
      %dma_wait3A_208 = tpu.memref_squeeze %dma_wait3A_207 : memref<25x1x8x128xi32, #tpu.memory_space<hbm>> -> memref<25x8x128xi32, #tpu.memory_space<hbm>>
      %dma_wait3A_209 = arith.constant 0 : i32
      %dma_wait3A_210 = arith.constant 0 : i32
      %dma_wait3A_211 = arith.constant 0 : i32
      %dma_wait3A_212 = tpu.memref_slice %arg3[%dma_wait3A_209, %add3A, %dma_wait3A_210, %dma_wait3A_211] : memref<25x32x8x128xi32, #tpu.memory_space<hbm>> -> memref<25x1x8x128xi32, #tpu.memory_space<hbm>>
      %dma_wait3A_213 = tpu.memref_squeeze %dma_wait3A_212 : memref<25x1x8x128xi32, #tpu.memory_space<hbm>> -> memref<25x8x128xi32, #tpu.memory_space<hbm>>
      tpu.wait_dma2 semaphore(%run_scoped3A : memref<!tpu.dma_semaphore, #tpu.memory_space<semaphore_mem>>) src(%dma_wait3A_213 : memref<25x8x128xi32, #tpu.memory_space<hbm>>) dst(%arg5 : memref<25x8x128xi32, #tpu.memory_space<vmem>>)
      tpu.yield
    }) : () -> ()
    %iota3A = tpu.iota {dimensions = array<i32: 0>} : vector<16xi32>
    %jit3A = arith.constant 8 : i32
    %div3A = vector.broadcast %jit3A : i32 to vector<16xi32>
    %div3A_1 = arith.divsi %iota3A, %div3A : vector<16xi32>
    %sign3A = arith.constant 0 : i32
    %sign3A_2 = vector.broadcast %sign3A : i32 to vector<16xi32>
    %sign3A_3 = arith.cmpi sgt, %iota3A, %sign3A_2 : vector<16xi32>
    %sign3A_4 = arith.extui %sign3A_3 : vector<16xi1> to vector<16xi32>
    %sign3A_5 = arith.constant 0 : i32
    %sign3A_6 = vector.broadcast %sign3A_5 : i32 to vector<16xi32>
    %sign3A_7 = arith.cmpi slt, %iota3A, %sign3A_6 : vector<16xi32>
    %sign3A_8 = arith.extui %sign3A_7 : vector<16xi1> to vector<16xi32>
    %sign3A_9 = arith.subi %sign3A_4, %sign3A_8 : vector<16xi32>
    %sign3A_10 = arith.constant 0 : i32
    %sign3A_11 = arith.cmpi sgt, %jit3A, %sign3A_10 : i32
    %sign3A_12 = arith.extui %sign3A_11 : i1 to i32
    %sign3A_13 = arith.constant 0 : i32
    %sign3A_14 = arith.cmpi slt, %jit3A, %sign3A_13 : i32
    %sign3A_15 = arith.extui %sign3A_14 : i1 to i32
    %sign3A_16 = arith.subi %sign3A_12, %sign3A_15 : i32
    %ne3A = vector.broadcast %sign3A_16 : i32 to vector<16xi32>
    %ne3A_17 = arith.cmpi ne, %sign3A_9, %ne3A : vector<16xi32>
    %rem3A = vector.broadcast %jit3A : i32 to vector<16xi32>
    %rem3A_18 = arith.remsi %iota3A, %rem3A : vector<16xi32>
    %ne3A_19 = arith.constant 0 : i32
    %ne3A_20 = vector.broadcast %ne3A_19 : i32 to vector<16xi32>
    %ne3A_21 = arith.cmpi ne, %rem3A_18, %ne3A_20 : vector<16xi32>
    %and3A = arith.andi %ne3A_17, %ne3A_21 : vector<16xi1>
    %sub3A = arith.constant 1 : i32
    %sub3A_22 = vector.broadcast %sub3A : i32 to vector<16xi32>
    %sub3A_23 = arith.subi %div3A_1, %sub3A_22 : vector<16xi32>
    %select_n3A = arith.select %and3A, %sub3A_23, %div3A_1 : vector<16xi1>, vector<16xi32>
    %jit3A_24 = arith.constant 8 : i32
    %eq3A = arith.constant 0 : i32
    %eq3A_25 = arith.cmpi eq, %jit3A_24, %eq3A : i32
    %jit3A_26 = arith.constant 1 : i32
    %select_n3A_27 = arith.select %eq3A_25, %jit3A_26, %jit3A_24 : i32
    %rem3A_28 = vector.broadcast %select_n3A_27 : i32 to vector<16xi32>
    %rem3A_29 = arith.remsi %iota3A, %rem3A_28 : vector<16xi32>
    %ne3A_30 = arith.constant 0 : i32
    %ne3A_31 = vector.broadcast %ne3A_30 : i32 to vector<16xi32>
    %ne3A_32 = arith.cmpi ne, %rem3A_29, %ne3A_31 : vector<16xi32>
    %lt3A = arith.constant 0 : i32
    %lt3A_33 = vector.broadcast %lt3A : i32 to vector<16xi32>
    %lt3A_34 = arith.cmpi slt, %rem3A_29, %lt3A_33 : vector<16xi32>
    %lt3A_35 = arith.constant 0 : i32
    %lt3A_36 = arith.cmpi slt, %select_n3A_27, %lt3A_35 : i32
    %ne3A_37 = vector.broadcast %lt3A_36 : i1 to vector<16xi1>
    %ne3A_38 = vector.broadcast %ne3A_37 : vector<16xi1> to vector<16xi1>
    %ne3A_39 = arith.xori %lt3A_34, %ne3A_38 : vector<16xi1>
    %and3A_40 = arith.andi %ne3A_39, %ne3A_32 : vector<16xi1>
    %add3A_41 = vector.broadcast %select_n3A_27 : i32 to vector<16xi32>
    %add3A_42 = arith.addi %rem3A_29, %add3A_41 : vector<16xi32>
    %select_n3A_43 = arith.select %and3A_40, %add3A_42, %rem3A_29 : vector<16xi1>, vector<16xi32>
    %add3A_44 = arith.constant 16 : i32
    %add3A_45 = vector.broadcast %add3A_44 : i32 to vector<16xi32>
    %add3A_46 = arith.addi %iota3A, %add3A_45 : vector<16xi32>
    %jit3A_47 = arith.constant 8 : i32
    %div3A_48 = vector.broadcast %jit3A_47 : i32 to vector<16xi32>
    %div3A_49 = arith.divsi %add3A_46, %div3A_48 : vector<16xi32>
    %sign3A_50 = arith.constant 0 : i32
    %sign3A_51 = vector.broadcast %sign3A_50 : i32 to vector<16xi32>
    %sign3A_52 = arith.cmpi sgt, %add3A_46, %sign3A_51 : vector<16xi32>
    %sign3A_53 = arith.extui %sign3A_52 : vector<16xi1> to vector<16xi32>
    %sign3A_54 = arith.constant 0 : i32
    %sign3A_55 = vector.broadcast %sign3A_54 : i32 to vector<16xi32>
    %sign3A_56 = arith.cmpi slt, %add3A_46, %sign3A_55 : vector<16xi32>
    %sign3A_57 = arith.extui %sign3A_56 : vector<16xi1> to vector<16xi32>
    %sign3A_58 = arith.subi %sign3A_53, %sign3A_57 : vector<16xi32>
    %sign3A_59 = arith.constant 0 : i32
    %sign3A_60 = arith.cmpi sgt, %jit3A_47, %sign3A_59 : i32
    %sign3A_61 = arith.extui %sign3A_60 : i1 to i32
    %sign3A_62 = arith.constant 0 : i32
    %sign3A_63 = arith.cmpi slt, %jit3A_47, %sign3A_62 : i32
    %sign3A_64 = arith.extui %sign3A_63 : i1 to i32
    %sign3A_65 = arith.subi %sign3A_61, %sign3A_64 : i32
    %ne3A_66 = vector.broadcast %sign3A_65 : i32 to vector<16xi32>
    %ne3A_67 = arith.cmpi ne, %sign3A_58, %ne3A_66 : vector<16xi32>
    %rem3A_68 = vector.broadcast %jit3A_47 : i32 to vector<16xi32>
    %rem3A_69 = arith.remsi %add3A_46, %rem3A_68 : vector<16xi32>
    %ne3A_70 = arith.constant 0 : i32
    %ne3A_71 = vector.broadcast %ne3A_70 : i32 to vector<16xi32>
    %ne3A_72 = arith.cmpi ne, %rem3A_69, %ne3A_71 : vector<16xi32>
    %and3A_73 = arith.andi %ne3A_67, %ne3A_72 : vector<16xi1>
    %sub3A_74 = arith.constant 1 : i32
    %sub3A_75 = vector.broadcast %sub3A_74 : i32 to vector<16xi32>
    %sub3A_76 = arith.subi %div3A_49, %sub3A_75 : vector<16xi32>
    %select_n3A_77 = arith.select %and3A_73, %sub3A_76, %div3A_49 : vector<16xi1>, vector<16xi32>
    %add3A_78 = arith.constant 16 : i32
    %add3A_79 = vector.broadcast %add3A_78 : i32 to vector<16xi32>
    %add3A_80 = arith.addi %iota3A, %add3A_79 : vector<16xi32>
    %jit3A_81 = arith.constant 8 : i32
    %eq3A_82 = arith.constant 0 : i32
    %eq3A_83 = arith.cmpi eq, %jit3A_81, %eq3A_82 : i32
    %jit3A_84 = arith.constant 1 : i32
    %select_n3A_85 = arith.select %eq3A_83, %jit3A_84, %jit3A_81 : i32
    %rem3A_86 = vector.broadcast %select_n3A_85 : i32 to vector<16xi32>
    %rem3A_87 = arith.remsi %add3A_80, %rem3A_86 : vector<16xi32>
    %ne3A_88 = arith.constant 0 : i32
    %ne3A_89 = vector.broadcast %ne3A_88 : i32 to vector<16xi32>
    %ne3A_90 = arith.cmpi ne, %rem3A_87, %ne3A_89 : vector<16xi32>
    %lt3A_91 = arith.constant 0 : i32
    %lt3A_92 = vector.broadcast %lt3A_91 : i32 to vector<16xi32>
    %lt3A_93 = arith.cmpi slt, %rem3A_87, %lt3A_92 : vector<16xi32>
    %lt3A_94 = arith.constant 0 : i32
    %lt3A_95 = arith.cmpi slt, %select_n3A_85, %lt3A_94 : i32
    %ne3A_96 = vector.broadcast %lt3A_95 : i1 to vector<16xi1>
    %ne3A_97 = vector.broadcast %ne3A_96 : vector<16xi1> to vector<16xi1>
    %ne3A_98 = arith.xori %lt3A_93, %ne3A_97 : vector<16xi1>
    %and3A_99 = arith.andi %ne3A_98, %ne3A_90 : vector<16xi1>
    %add3A_100 = vector.broadcast %select_n3A_85 : i32 to vector<16xi32>
    %add3A_101 = arith.addi %rem3A_87, %add3A_100 : vector<16xi32>
    %select_n3A_102 = arith.select %and3A_99, %add3A_101, %rem3A_87 : vector<16xi1>, vector<16xi32>
    %dma_start3A = arith.constant 0 : i32
    %dma_start3A_103 = arith.constant 0 : i32
    %dma_start3A_104 = arith.constant 0 : i32
    %dma_start3A_105 = arith.constant 0 : i32
    %dma_start3A_106 = tpu.memref_slice %arg6[%dma_start3A_104, %dma_start3A_105] : memref<512x32xf32, #tpu.memory_space<vmem>> -> memref<128x32xf32, #tpu.memory_space<vmem>>
    %dma_start3A_107 = arith.constant 0 : i32
    %dma_start3A_108 = tpu.memref_slice %arg5[%dma_start3A, %dma_start3A_103, %dma_start3A_107] : memref<25x8x128xi32, #tpu.memory_space<vmem>> -> memref<1x1x128xi32, #tpu.memory_space<vmem>>
    %dma_start3A_109 = tpu.memref_squeeze %dma_start3A_108 : memref<1x1x128xi32, #tpu.memory_space<vmem>> -> memref<128xi32, #tpu.memory_space<vmem>>
    %dma_start3A_110 = arith.constant 0 : i32
    %dma_start3A_111 = arith.constant 0 : i32
    %dma_start3A_112 = tpu.memref_slice %arg2[%dma_start3A_110, %dma_start3A_111] : memref<1000000x32xf32, #tpu.memory_space<hbm>> -> memref<1000000x32xf32, #tpu.memory_space<hbm>>
    tpu.enqueue_indirect_dma source(%dma_start3A_112 : memref<1000000x32xf32, #tpu.memory_space<hbm>>) target(%dma_start3A_106 : memref<128x32xf32, #tpu.memory_space<vmem>>) offsets(%dma_start3A_109 : memref<128xi32, #tpu.memory_space<vmem>>) semaphore(%arg10 : memref<!tpu.dma_semaphore, #tpu.memory_space<semaphore_mem>>)
    %dma_start3A_113 = arith.constant 0 : i32
    %dma_start3A_114 = arith.constant 1 : i32
    %dma_start3A_115 = arith.constant 128 : i32
    %dma_start3A_116 = arith.constant 0 : i32
    %dma_start3A_117 = tpu.memref_slice %arg6[%dma_start3A_115, %dma_start3A_116] : memref<512x32xf32, #tpu.memory_space<vmem>> -> memref<128x32xf32, #tpu.memory_space<vmem>>
    %dma_start3A_118 = arith.constant 0 : i32
    %dma_start3A_119 = tpu.memref_slice %arg5[%dma_start3A_113, %dma_start3A_114, %dma_start3A_118] : memref<25x8x128xi32, #tpu.memory_space<vmem>> -> memref<1x1x128xi32, #tpu.memory_space<vmem>>
    %dma_start3A_120 = tpu.memref_squeeze %dma_start3A_119 : memref<1x1x128xi32, #tpu.memory_space<vmem>> -> memref<128xi32, #tpu.memory_space<vmem>>
    %dma_start3A_121 = arith.constant 0 : i32
    %dma_start3A_122 = arith.constant 0 : i32
    %dma_start3A_123 = tpu.memref_slice %arg2[%dma_start3A_121, %dma_start3A_122] : memref<1000000x32xf32, #tpu.memory_space<hbm>> -> memref<1000000x32xf32, #tpu.memory_space<hbm>>
    tpu.enqueue_indirect_dma source(%dma_start3A_123 : memref<1000000x32xf32, #tpu.memory_space<hbm>>) target(%dma_start3A_117 : memref<128x32xf32, #tpu.memory_space<vmem>>) offsets(%dma_start3A_120 : memref<128xi32, #tpu.memory_space<vmem>>) semaphore(%arg10 : memref<!tpu.dma_semaphore, #tpu.memory_space<semaphore_mem>>)
    %dma_start3A_124 = arith.constant 0 : i32
    %dma_start3A_125 = arith.constant 2 : i32
    %dma_start3A_126 = arith.constant 256 : i32
    %dma_start3A_127 = arith.constant 0 : i32
    %dma_start3A_128 = tpu.memref_slice %arg6[%dma_start3A_126, %dma_start3A_127] : memref<512x32xf32, #tpu.memory_space<vmem>> -> memref<128x32xf32, #tpu.memory_space<vmem>>
    %dma_start3A_129 = arith.constant 0 : i32
    %dma_start3A_130 = tpu.memref_slice %arg5[%dma_start3A_124, %dma_start3A_125, %dma_start3A_129] : memref<25x8x128xi32, #tpu.memory_space<vmem>> -> memref<1x1x128xi32, #tpu.memory_space<vmem>>
    %dma_start3A_131 = tpu.memref_squeeze %dma_start3A_130 : memref<1x1x128xi32, #tpu.memory_space<vmem>> -> memref<128xi32, #tpu.memory_space<vmem>>
    %dma_start3A_132 = arith.constant 0 : i32
    %dma_start3A_133 = arith.constant 0 : i32
    %dma_start3A_134 = tpu.memref_slice %arg2[%dma_start3A_132, %dma_start3A_133] : memref<1000000x32xf32, #tpu.memory_space<hbm>> -> memref<1000000x32xf32, #tpu.memory_space<hbm>>
    tpu.enqueue_indirect_dma source(%dma_start3A_134 : memref<1000000x32xf32, #tpu.memory_space<hbm>>) target(%dma_start3A_128 : memref<128x32xf32, #tpu.memory_space<vmem>>) offsets(%dma_start3A_131 : memref<128xi32, #tpu.memory_space<vmem>>) semaphore(%arg10 : memref<!tpu.dma_semaphore, #tpu.memory_space<semaphore_mem>>)
    %dma_start3A_135 = arith.constant 0 : i32
    %dma_start3A_136 = arith.constant 3 : i32
    %dma_start3A_137 = arith.constant 384 : i32
    %dma_start3A_138 = arith.constant 0 : i32
    %dma_start3A_139 = tpu.memref_slice %arg6[%dma_start3A_137, %dma_start3A_138] : memref<512x32xf32, #tpu.memory_space<vmem>> -> memref<128x32xf32, #tpu.memory_space<vmem>>
    %dma_start3A_140 = arith.constant 0 : i32
    %dma_start3A_141 = tpu.memref_slice %arg5[%dma_start3A_135, %dma_start3A_136, %dma_start3A_140] : memref<25x8x128xi32, #tpu.memory_space<vmem>> -> memref<1x1x128xi32, #tpu.memory_space<vmem>>
    %dma_start3A_142 = tpu.memref_squeeze %dma_start3A_141 : memref<1x1x128xi32, #tpu.memory_space<vmem>> -> memref<128xi32, #tpu.memory_space<vmem>>
    %dma_start3A_143 = arith.constant 0 : i32
    %dma_start3A_144 = arith.constant 0 : i32
    %dma_start3A_145 = tpu.memref_slice %arg2[%dma_start3A_143, %dma_start3A_144] : memref<1000000x32xf32, #tpu.memory_space<hbm>> -> memref<1000000x32xf32, #tpu.memory_space<hbm>>
    tpu.enqueue_indirect_dma source(%dma_start3A_145 : memref<1000000x32xf32, #tpu.memory_space<hbm>>) target(%dma_start3A_139 : memref<128x32xf32, #tpu.memory_space<vmem>>) offsets(%dma_start3A_142 : memref<128xi32, #tpu.memory_space<vmem>>) semaphore(%arg10 : memref<!tpu.dma_semaphore, #tpu.memory_space<semaphore_mem>>)
    %scan3A = arith.constant 0 : i32
    %scan3A_146 = arith.constant 0 : i32
    %scan3A_147 = arith.constant 25 : i32
    %scan3A_148 = arith.addi %scan3A_146, %scan3A_147 : i32
    %scan3A_149 = arith.constant 1 : i32
    scf.for %scan3A_194 = %scan3A_146 to %scan3A_148 step %scan3A_149  : i32 {
      %mul3A_195 = arith.constant 2 : i32
      %mul3A_196 = arith.muli %scan3A_194, %mul3A_195 : i32
      %gt3A = arith.constant 0 : i32
      %gt3A_197 = arith.cmpi sgt, %scan3A_194, %gt3A : i32
      %convert_element_type3A = arith.extui %gt3A_197 : i1 to i32
      %cond3A = arith.constant 0 : i32
      %cond3A_198 = arith.cmpi ne, %convert_element_type3A, %cond3A : i32
      scf.if %cond3A_198 {
        %dma_wait3A_493 = arith.constant 0 : i32
        %dma_wait3A_494 = arith.constant 0 : i32
        %dma_wait3A_495 = arith.constant 0 : i32
        %dma_wait3A_496 = arith.constant 0 : i32
        %dma_wait3A_497 = tpu.memref_slice %arg9[%dma_wait3A_493, %dma_wait3A_494, %dma_wait3A_495, %dma_wait3A_496] : memref<4x4x8x129xf32, #tpu.memory_space<vmem>> -> memref<4x4x8x128xf32, #tpu.memory_space<vmem>>
        %dma_wait3A_498 = arith.constant 0 : i32
        %dma_wait3A_499 = arith.constant 0 : i32
        %dma_wait3A_500 = arith.constant 0 : i32
        %dma_wait3A_501 = arith.constant 0 : i32
        %dma_wait3A_502 = tpu.memref_slice %arg4[%dma_wait3A_498, %dma_wait3A_499, %add3A, %dma_wait3A_500, %dma_wait3A_501] : memref<200x4x32x8x128xf32, #tpu.memory_space<hbm>> -> memref<4x4x1x8x128xf32, #tpu.memory_space<hbm>>
        %dma_wait3A_503 = tpu.memref_squeeze %dma_wait3A_502 : memref<4x4x1x8x128xf32, #tpu.memory_space<hbm>> -> memref<4x4x8x128xf32, #tpu.memory_space<hbm>>
        %dma_wait3A_504 = arith.constant 0 : i32
        %dma_wait3A_505 = arith.constant 0 : i32
        %dma_wait3A_506 = arith.constant 0 : i32
        %dma_wait3A_507 = arith.constant 0 : i32
        %dma_wait3A_508 = tpu.memref_slice %arg4[%dma_wait3A_504, %dma_wait3A_505, %add3A, %dma_wait3A_506, %dma_wait3A_507] : memref<200x4x32x8x128xf32, #tpu.memory_space<hbm>> -> memref<4x4x1x8x128xf32, #tpu.memory_space<hbm>>
        %dma_wait3A_509 = tpu.memref_squeeze %dma_wait3A_508 : memref<4x4x1x8x128xf32, #tpu.memory_space<hbm>> -> memref<4x4x8x128xf32, #tpu.memory_space<hbm>>
        %dma_wait3A_510 = arith.constant 0 : i32
        %dma_wait3A_511 = arith.constant 0 : i32
        %dma_wait3A_512 = arith.constant 0 : i32
        %dma_wait3A_513 = arith.constant 0 : i32
        %dma_wait3A_514 = tpu.memref_slice %arg9[%dma_wait3A_510, %dma_wait3A_511, %dma_wait3A_512, %dma_wait3A_513] : memref<4x4x8x129xf32, #tpu.memory_space<vmem>> -> memref<4x4x8x128xf32, #tpu.memory_space<vmem>>
        tpu.wait_dma2 semaphore(%arg12 : memref<!tpu.dma_semaphore, #tpu.memory_space<semaphore_mem>>) src(%dma_wait3A_514 : memref<4x4x8x128xf32, #tpu.memory_space<vmem>>) dst(%dma_wait3A_509 : memref<4x4x8x128xf32, #tpu.memory_space<hbm>>)
      } else {
      }
      %add3A_199 = arith.constant 1 : i32
      %add3A_200 = arith.addi %mul3A_196, %add3A_199 : i32
      %mul3A_201 = arith.constant 4 : i32
      %mul3A_202 = arith.muli %add3A_200, %mul3A_201 : i32
      %add3A_203 = arith.constant 0 : i32
      %add3A_204 = arith.addi %mul3A_202, %add3A_203 : i32
      %jit3A_205 = arith.constant 8 : i32
      %div3A_206 = arith.divsi %add3A_204, %jit3A_205 : i32
      %sign3A_207 = arith.constant 0 : i32
      %sign3A_208 = arith.cmpi sgt, %add3A_204, %sign3A_207 : i32
      %sign3A_209 = arith.extui %sign3A_208 : i1 to i32
      %sign3A_210 = arith.constant 0 : i32
      %sign3A_211 = arith.cmpi slt, %add3A_204, %sign3A_210 : i32
      %sign3A_212 = arith.extui %sign3A_211 : i1 to i32
      %sign3A_213 = arith.subi %sign3A_209, %sign3A_212 : i32
      %sign3A_214 = arith.constant 0 : i32
      %sign3A_215 = arith.cmpi sgt, %jit3A_205, %sign3A_214 : i32
      %sign3A_216 = arith.extui %sign3A_215 : i1 to i32
      %sign3A_217 = arith.constant 0 : i32
      %sign3A_218 = arith.cmpi slt, %jit3A_205, %sign3A_217 : i32
      %sign3A_219 = arith.extui %sign3A_218 : i1 to i32
      %sign3A_220 = arith.subi %sign3A_216, %sign3A_219 : i32
      %ne3A_221 = arith.cmpi ne, %sign3A_213, %sign3A_220 : i32
      %rem3A_222 = arith.remsi %add3A_204, %jit3A_205 : i32
      %ne3A_223 = arith.constant 0 : i32
      %ne3A_224 = arith.cmpi ne, %rem3A_222, %ne3A_223 : i32
      %and3A_225 = arith.andi %ne3A_221, %ne3A_224 : i1
      %sub3A_226 = arith.constant 1 : i32
      %sub3A_227 = arith.subi %div3A_206, %sub3A_226 : i32
      %select_n3A_228 = arith.select %and3A_225, %sub3A_227, %div3A_206 : i32
      %jit3A_229 = arith.constant 8 : i32
      %eq3A_230 = arith.constant 0 : i32
      %eq3A_231 = arith.cmpi eq, %jit3A_229, %eq3A_230 : i32
      %jit3A_232 = arith.constant 1 : i32
      %select_n3A_233 = arith.select %eq3A_231, %jit3A_232, %jit3A_229 : i32
      %rem3A_234 = arith.remsi %add3A_204, %select_n3A_233 : i32
      %ne3A_235 = arith.constant 0 : i32
      %ne3A_236 = arith.cmpi ne, %rem3A_234, %ne3A_235 : i32
      %lt3A_237 = arith.constant 0 : i32
      %lt3A_238 = arith.cmpi slt, %rem3A_234, %lt3A_237 : i32
      %lt3A_239 = arith.constant 0 : i32
      %lt3A_240 = arith.cmpi slt, %select_n3A_233, %lt3A_239 : i32
      %ne3A_241 = arith.xori %lt3A_238, %lt3A_240 : i1
      %and3A_242 = arith.andi %ne3A_241, %ne3A_236 : i1
      %add3A_243 = arith.addi %rem3A_234, %select_n3A_233 : i32
      %select_n3A_244 = arith.select %and3A_242, %add3A_243, %rem3A_234 : i32
      %dma_start3A_245 = arith.constant 0 : i32
      %dma_start3A_246 = arith.constant 0 : i32
      %dma_start3A_247 = tpu.memref_slice %arg7[%dma_start3A_245, %dma_start3A_246] : memref<512x32xf32, #tpu.memory_space<vmem>> -> memref<128x32xf32, #tpu.memory_space<vmem>>
      %dma_start3A_248 = arith.constant 0 : i32
      %dma_start3A_249 = tpu.memref_slice %arg5[%select_n3A_228, %select_n3A_244, %dma_start3A_248] : memref<25x8x128xi32, #tpu.memory_space<vmem>> -> memref<1x1x128xi32, #tpu.memory_space<vmem>>
      %dma_start3A_250 = tpu.memref_squeeze %dma_start3A_249 : memref<1x1x128xi32, #tpu.memory_space<vmem>> -> memref<128xi32, #tpu.memory_space<vmem>>
      %dma_start3A_251 = arith.constant 0 : i32
      %dma_start3A_252 = arith.constant 0 : i32
      %dma_start3A_253 = tpu.memref_slice %arg2[%dma_start3A_251, %dma_start3A_252] : memref<1000000x32xf32, #tpu.memory_space<hbm>> -> memref<1000000x32xf32, #tpu.memory_space<hbm>>
      tpu.enqueue_indirect_dma source(%dma_start3A_253 : memref<1000000x32xf32, #tpu.memory_space<hbm>>) target(%dma_start3A_247 : memref<128x32xf32, #tpu.memory_space<vmem>>) offsets(%dma_start3A_250 : memref<128xi32, #tpu.memory_space<vmem>>) semaphore(%arg10 : memref<!tpu.dma_semaphore, #tpu.memory_space<semaphore_mem>>)
      %mul3A_254 = arith.constant 4 : i32
      %mul3A_255 = arith.muli %add3A_200, %mul3A_254 : i32
      %add3A_256 = arith.constant 1 : i32
      %add3A_257 = arith.addi %mul3A_255, %add3A_256 : i32
      %jit3A_258 = arith.constant 8 : i32
      %div3A_259 = arith.divsi %add3A_257, %jit3A_258 : i32
      %sign3A_260 = arith.constant 0 : i32
      %sign3A_261 = arith.cmpi sgt, %add3A_257, %sign3A_260 : i32
      %sign3A_262 = arith.extui %sign3A_261 : i1 to i32
      %sign3A_263 = arith.constant 0 : i32
      %sign3A_264 = arith.cmpi slt, %add3A_257, %sign3A_263 : i32
      %sign3A_265 = arith.extui %sign3A_264 : i1 to i32
      %sign3A_266 = arith.subi %sign3A_262, %sign3A_265 : i32
      %sign3A_267 = arith.constant 0 : i32
      %sign3A_268 = arith.cmpi sgt, %jit3A_258, %sign3A_267 : i32
      %sign3A_269 = arith.extui %sign3A_268 : i1 to i32
      %sign3A_270 = arith.constant 0 : i32
      %sign3A_271 = arith.cmpi slt, %jit3A_258, %sign3A_270 : i32
      %sign3A_272 = arith.extui %sign3A_271 : i1 to i32
      %sign3A_273 = arith.subi %sign3A_269, %sign3A_272 : i32
      %ne3A_274 = arith.cmpi ne, %sign3A_266, %sign3A_273 : i32
      %rem3A_275 = arith.remsi %add3A_257, %jit3A_258 : i32
      %ne3A_276 = arith.constant 0 : i32
      %ne3A_277 = arith.cmpi ne, %rem3A_275, %ne3A_276 : i32
      %and3A_278 = arith.andi %ne3A_274, %ne3A_277 : i1
      %sub3A_279 = arith.constant 1 : i32
      %sub3A_280 = arith.subi %div3A_259, %sub3A_279 : i32
      %select_n3A_281 = arith.select %and3A_278, %sub3A_280, %div3A_259 : i32
      %jit3A_282 = arith.constant 8 : i32
      %eq3A_283 = arith.constant 0 : i32
      %eq3A_284 = arith.cmpi eq, %jit3A_282, %eq3A_283 : i32
      %jit3A_285 = arith.constant 1 : i32
      %select_n3A_286 = arith.select %eq3A_284, %jit3A_285, %jit3A_282 : i32
      %rem3A_287 = arith.remsi %add3A_257, %select_n3A_286 : i32
      %ne3A_288 = arith.constant 0 : i32
      %ne3A_289 = arith.cmpi ne, %rem3A_287, %ne3A_288 : i32
      %lt3A_290 = arith.constant 0 : i32
      %lt3A_291 = arith.cmpi slt, %rem3A_287, %lt3A_290 : i32
      %lt3A_292 = arith.constant 0 : i32
      %lt3A_293 = arith.cmpi slt, %select_n3A_286, %lt3A_292 : i32
      %ne3A_294 = arith.xori %lt3A_291, %lt3A_293 : i1
      %and3A_295 = arith.andi %ne3A_294, %ne3A_289 : i1
      %add3A_296 = arith.addi %rem3A_287, %select_n3A_286 : i32
      %select_n3A_297 = arith.select %and3A_295, %add3A_296, %rem3A_287 : i32
      %dma_start3A_298 = arith.constant 128 : i32
      %dma_start3A_299 = arith.constant 0 : i32
      %dma_start3A_300 = tpu.memref_slice %arg7[%dma_start3A_298, %dma_start3A_299] : memref<512x32xf32, #tpu.memory_space<vmem>> -> memref<128x32xf32, #tpu.memory_space<vmem>>
      %dma_start3A_301 = arith.constant 0 : i32
      %dma_start3A_302 = tpu.memref_slice %arg5[%select_n3A_281, %select_n3A_297, %dma_start3A_301] : memref<25x8x128xi32, #tpu.memory_space<vmem>> -> memref<1x1x128xi32, #tpu.memory_space<vmem>>
      %dma_start3A_303 = tpu.memref_squeeze %dma_start3A_302 : memref<1x1x128xi32, #tpu.memory_space<vmem>> -> memref<128xi32, #tpu.memory_space<vmem>>
      %dma_start3A_304 = arith.constant 0 : i32
      %dma_start3A_305 = arith.constant 0 : i32
      %dma_start3A_306 = tpu.memref_slice %arg2[%dma_start3A_304, %dma_start3A_305] : memref<1000000x32xf32, #tpu.memory_space<hbm>> -> memref<1000000x32xf32, #tpu.memory_space<hbm>>
      tpu.enqueue_indirect_dma source(%dma_start3A_306 : memref<1000000x32xf32, #tpu.memory_space<hbm>>) target(%dma_start3A_300 : memref<128x32xf32, #tpu.memory_space<vmem>>) offsets(%dma_start3A_303 : memref<128xi32, #tpu.memory_space<vmem>>) semaphore(%arg10 : memref<!tpu.dma_semaphore, #tpu.memory_space<semaphore_mem>>)
      %mul3A_307 = arith.constant 4 : i32
      %mul3A_308 = arith.muli %add3A_200, %mul3A_307 : i32
      %add3A_309 = arith.constant 2 : i32
      %add3A_310 = arith.addi %mul3A_308, %add3A_309 : i32
      %jit3A_311 = arith.constant 8 : i32
      %div3A_312 = arith.divsi %add3A_310, %jit3A_311 : i32
      %sign3A_313 = arith.constant 0 : i32
      %sign3A_314 = arith.cmpi sgt, %add3A_310, %sign3A_313 : i32
      %sign3A_315 = arith.extui %sign3A_314 : i1 to i32
      %sign3A_316 = arith.constant 0 : i32
      %sign3A_317 = arith.cmpi slt, %add3A_310, %sign3A_316 : i32
      %sign3A_318 = arith.extui %sign3A_317 : i1 to i32
      %sign3A_319 = arith.subi %sign3A_315, %sign3A_318 : i32
      %sign3A_320 = arith.constant 0 : i32
      %sign3A_321 = arith.cmpi sgt, %jit3A_311, %sign3A_320 : i32
      %sign3A_322 = arith.extui %sign3A_321 : i1 to i32
      %sign3A_323 = arith.constant 0 : i32
      %sign3A_324 = arith.cmpi slt, %jit3A_311, %sign3A_323 : i32
      %sign3A_325 = arith.extui %sign3A_324 : i1 to i32
      %sign3A_326 = arith.subi %sign3A_322, %sign3A_325 : i32
      %ne3A_327 = arith.cmpi ne, %sign3A_319, %sign3A_326 : i32
      %rem3A_328 = arith.remsi %add3A_310, %jit3A_311 : i32
      %ne3A_329 = arith.constant 0 : i32
      %ne3A_330 = arith.cmpi ne, %rem3A_328, %ne3A_329 : i32
      %and3A_331 = arith.andi %ne3A_327, %ne3A_330 : i1
      %sub3A_332 = arith.constant 1 : i32
      %sub3A_333 = arith.subi %div3A_312, %sub3A_332 : i32
      %select_n3A_334 = arith.select %and3A_331, %sub3A_333, %div3A_312 : i32
      %jit3A_335 = arith.constant 8 : i32
      %eq3A_336 = arith.constant 0 : i32
      %eq3A_337 = arith.cmpi eq, %jit3A_335, %eq3A_336 : i32
      %jit3A_338 = arith.constant 1 : i32
      %select_n3A_339 = arith.select %eq3A_337, %jit3A_338, %jit3A_335 : i32
      %rem3A_340 = arith.remsi %add3A_310, %select_n3A_339 : i32
      %ne3A_341 = arith.constant 0 : i32
      %ne3A_342 = arith.cmpi ne, %rem3A_340, %ne3A_341 : i32
      %lt3A_343 = arith.constant 0 : i32
      %lt3A_344 = arith.cmpi slt, %rem3A_340, %lt3A_343 : i32
      %lt3A_345 = arith.constant 0 : i32
      %lt3A_346 = arith.cmpi slt, %select_n3A_339, %lt3A_345 : i32
      %ne3A_347 = arith.xori %lt3A_344, %lt3A_346 : i1
      %and3A_348 = arith.andi %ne3A_347, %ne3A_342 : i1
      %add3A_349 = arith.addi %rem3A_340, %select_n3A_339 : i32
      %select_n3A_350 = arith.select %and3A_348, %add3A_349, %rem3A_340 : i32
      %dma_start3A_351 = arith.constant 256 : i32
      %dma_start3A_352 = arith.constant 0 : i32
      %dma_start3A_353 = tpu.memref_slice %arg7[%dma_start3A_351, %dma_start3A_352] : memref<512x32xf32, #tpu.memory_space<vmem>> -> memref<128x32xf32, #tpu.memory_space<vmem>>
      %dma_start3A_354 = arith.constant 0 : i32
      %dma_start3A_355 = tpu.memref_slice %arg5[%select_n3A_334, %select_n3A_350, %dma_start3A_354] : memref<25x8x128xi32, #tpu.memory_space<vmem>> -> memref<1x1x128xi32, #tpu.memory_space<vmem>>
      %dma_start3A_356 = tpu.memref_squeeze %dma_start3A_355 : memref<1x1x128xi32, #tpu.memory_space<vmem>> -> memref<128xi32, #tpu.memory_space<vmem>>
      %dma_start3A_357 = arith.constant 0 : i32
      %dma_start3A_358 = arith.constant 0 : i32
      %dma_start3A_359 = tpu.memref_slice %arg2[%dma_start3A_357, %dma_start3A_358] : memref<1000000x32xf32, #tpu.memory_space<hbm>> -> memref<1000000x32xf32, #tpu.memory_space<hbm>>
      tpu.enqueue_indirect_dma source(%dma_start3A_359 : memref<1000000x32xf32, #tpu.memory_space<hbm>>) target(%dma_start3A_353 : memref<128x32xf32, #tpu.memory_space<vmem>>) offsets(%dma_start3A_356 : memref<128xi32, #tpu.memory_space<vmem>>) semaphore(%arg10 : memref<!tpu.dma_semaphore, #tpu.memory_space<semaphore_mem>>)
      %mul3A_360 = arith.constant 4 : i32
      %mul3A_361 = arith.muli %add3A_200, %mul3A_360 : i32
      %add3A_362 = arith.constant 3 : i32
      %add3A_363 = arith.addi %mul3A_361, %add3A_362 : i32
      %jit3A_364 = arith.constant 8 : i32
      %div3A_365 = arith.divsi %add3A_363, %jit3A_364 : i32
      %sign3A_366 = arith.constant 0 : i32
      %sign3A_367 = arith.cmpi sgt, %add3A_363, %sign3A_366 : i32
      %sign3A_368 = arith.extui %sign3A_367 : i1 to i32
      %sign3A_369 = arith.constant 0 : i32
      %sign3A_370 = arith.cmpi slt, %add3A_363, %sign3A_369 : i32
      %sign3A_371 = arith.extui %sign3A_370 : i1 to i32
      %sign3A_372 = arith.subi %sign3A_368, %sign3A_371 : i32
      %sign3A_373 = arith.constant 0 : i32
      %sign3A_374 = arith.cmpi sgt, %jit3A_364, %sign3A_373 : i32
      %sign3A_375 = arith.extui %sign3A_374 : i1 to i32
      %sign3A_376 = arith.constant 0 : i32
      %sign3A_377 = arith.cmpi slt, %jit3A_364, %sign3A_376 : i32
      %sign3A_378 = arith.extui %sign3A_377 : i1 to i32
      %sign3A_379 = arith.subi %sign3A_375, %sign3A_378 : i32
      %ne3A_380 = arith.cmpi ne, %sign3A_372, %sign3A_379 : i32
      %rem3A_381 = arith.remsi %add3A_363, %jit3A_364 : i32
      %ne3A_382 = arith.constant 0 : i32
      %ne3A_383 = arith.cmpi ne, %rem3A_381, %ne3A_382 : i32
      %and3A_384 = arith.andi %ne3A_380, %ne3A_383 : i1
      %sub3A_385 = arith.constant 1 : i32
      %sub3A_386 = arith.subi %div3A_365, %sub3A_385 : i32
      %select_n3A_387 = arith.select %and3A_384, %sub3A_386, %div3A_365 : i32
      %jit3A_388 = arith.constant 8 : i32
      %eq3A_389 = arith.constant 0 : i32
      %eq3A_390 = arith.cmpi eq, %jit3A_388, %eq3A_389 : i32
      %jit3A_391 = arith.constant 1 : i32
      %select_n3A_392 = arith.select %eq3A_390, %jit3A_391, %jit3A_388 : i32
      %rem3A_393 = arith.remsi %add3A_363, %select_n3A_392 : i32
      %ne3A_394 = arith.constant 0 : i32
      %ne3A_395 = arith.cmpi ne, %rem3A_393, %ne3A_394 : i32
      %lt3A_396 = arith.constant 0 : i32
      %lt3A_397 = arith.cmpi slt, %rem3A_393, %lt3A_396 : i32
      %lt3A_398 = arith.constant 0 : i32
      %lt3A_399 = arith.cmpi slt, %select_n3A_392, %lt3A_398 : i32
      %ne3A_400 = arith.xori %lt3A_397, %lt3A_399 : i1
      %and3A_401 = arith.andi %ne3A_400, %ne3A_395 : i1
      %add3A_402 = arith.addi %rem3A_393, %select_n3A_392 : i32
      %select_n3A_403 = arith.select %and3A_401, %add3A_402, %rem3A_393 : i32
      %dma_start3A_404 = arith.constant 384 : i32
      %dma_start3A_405 = arith.constant 0 : i32
      %dma_start3A_406 = tpu.memref_slice %arg7[%dma_start3A_404, %dma_start3A_405] : memref<512x32xf32, #tpu.memory_space<vmem>> -> memref<128x32xf32, #tpu.memory_space<vmem>>
      %dma_start3A_407 = arith.constant 0 : i32
      %dma_start3A_408 = tpu.memref_slice %arg5[%select_n3A_387, %select_n3A_403, %dma_start3A_407] : memref<25x8x128xi32, #tpu.memory_space<vmem>> -> memref<1x1x128xi32, #tpu.memory_space<vmem>>
      %dma_start3A_409 = tpu.memref_squeeze %dma_start3A_408 : memref<1x1x128xi32, #tpu.memory_space<vmem>> -> memref<128xi32, #tpu.memory_space<vmem>>
      %dma_start3A_410 = arith.constant 0 : i32
      %dma_start3A_411 = arith.constant 0 : i32
      %dma_start3A_412 = tpu.memref_slice %arg2[%dma_start3A_410, %dma_start3A_411] : memref<1000000x32xf32, #tpu.memory_space<hbm>> -> memref<1000000x32xf32, #tpu.memory_space<hbm>>
      tpu.enqueue_indirect_dma source(%dma_start3A_412 : memref<1000000x32xf32, #tpu.memory_space<hbm>>) target(%dma_start3A_406 : memref<128x32xf32, #tpu.memory_space<vmem>>) offsets(%dma_start3A_409 : memref<128xi32, #tpu.memory_space<vmem>>) semaphore(%arg10 : memref<!tpu.dma_semaphore, #tpu.memory_space<semaphore_mem>>)
      %dma_wait3A_413 = arith.constant 0 : i32
      %dma_wait3A_414 = arith.constant 0 : i32
      %dma_wait3A_415 = tpu.memref_slice %arg2[%dma_wait3A_413, %dma_wait3A_414] : memref<1000000x32xf32, #tpu.memory_space<hbm>> -> memref<512x32xf32, #tpu.memory_space<hbm>>
      %dma_wait3A_416 = arith.constant 0 : i32
      %dma_wait3A_417 = arith.constant 0 : i32
      %dma_wait3A_418 = tpu.memref_slice %arg2[%dma_wait3A_416, %dma_wait3A_417] : memref<1000000x32xf32, #tpu.memory_space<hbm>> -> memref<512x32xf32, #tpu.memory_space<hbm>>
      tpu.wait_dma2 semaphore(%arg10 : memref<!tpu.dma_semaphore, #tpu.memory_space<semaphore_mem>>) src(%dma_wait3A_418 : memref<512x32xf32, #tpu.memory_space<hbm>>) dst(%arg6 : memref<512x32xf32, #tpu.memory_space<vmem>>)
      %gt3A_419 = arith.constant 0 : i32
      %gt3A_420 = arith.cmpi sgt, %scan3A_194, %gt3A_419 : i32
      %convert_element_type3A_421 = arith.extui %gt3A_420 : i1 to i32
      %cond3A_422 = arith.constant 0 : i32
      %cond3A_423 = arith.cmpi ne, %convert_element_type3A_421, %cond3A_422 : i32
      scf.if %cond3A_423 {
        %dma_wait3A_493 = arith.constant 0 : i32
        %dma_wait3A_494 = arith.constant 0 : i32
        %dma_wait3A_495 = arith.constant 0 : i32
        %dma_wait3A_496 = arith.constant 0 : i32
        %dma_wait3A_497 = tpu.memref_slice %arg8[%dma_wait3A_493, %dma_wait3A_494, %dma_wait3A_495, %dma_wait3A_496] : memref<4x4x8x129xf32, #tpu.memory_space<vmem>> -> memref<4x4x8x128xf32, #tpu.memory_space<vmem>>
        %dma_wait3A_498 = arith.constant 0 : i32
        %dma_wait3A_499 = arith.constant 0 : i32
        %dma_wait3A_500 = arith.constant 0 : i32
        %dma_wait3A_501 = arith.constant 0 : i32
        %dma_wait3A_502 = tpu.memref_slice %arg4[%dma_wait3A_498, %dma_wait3A_499, %add3A, %dma_wait3A_500, %dma_wait3A_501] : memref<200x4x32x8x128xf32, #tpu.memory_space<hbm>> -> memref<4x4x1x8x128xf32, #tpu.memory_space<hbm>>
        %dma_wait3A_503 = tpu.memref_squeeze %dma_wait3A_502 : memref<4x4x1x8x128xf32, #tpu.memory_space<hbm>> -> memref<4x4x8x128xf32, #tpu.memory_space<hbm>>
        %dma_wait3A_504 = arith.constant 0 : i32
        %dma_wait3A_505 = arith.constant 0 : i32
        %dma_wait3A_506 = arith.constant 0 : i32
        %dma_wait3A_507 = arith.constant 0 : i32
        %dma_wait3A_508 = tpu.memref_slice %arg4[%dma_wait3A_504, %dma_wait3A_505, %add3A, %dma_wait3A_506, %dma_wait3A_507] : memref<200x4x32x8x128xf32, #tpu.memory_space<hbm>> -> memref<4x4x1x8x128xf32, #tpu.memory_space<hbm>>
        %dma_wait3A_509 = tpu.memref_squeeze %dma_wait3A_508 : memref<4x4x1x8x128xf32, #tpu.memory_space<hbm>> -> memref<4x4x8x128xf32, #tpu.memory_space<hbm>>
        %dma_wait3A_510 = arith.constant 0 : i32
        %dma_wait3A_511 = arith.constant 0 : i32
        %dma_wait3A_512 = arith.constant 0 : i32
        %dma_wait3A_513 = arith.constant 0 : i32
        %dma_wait3A_514 = tpu.memref_slice %arg8[%dma_wait3A_510, %dma_wait3A_511, %dma_wait3A_512, %dma_wait3A_513] : memref<4x4x8x129xf32, #tpu.memory_space<vmem>> -> memref<4x4x8x128xf32, #tpu.memory_space<vmem>>
        tpu.wait_dma2 semaphore(%arg11 : memref<!tpu.dma_semaphore, #tpu.memory_space<semaphore_mem>>) src(%dma_wait3A_514 : memref<4x4x8x128xf32, #tpu.memory_space<vmem>>) dst(%dma_wait3A_509 : memref<4x4x8x128xf32, #tpu.memory_space<hbm>>)
      } else {
      }
      %scan3A_424 = arith.constant 0 : i32
      %scan3A_425 = arith.constant 0 : i32
      %scan3A_426 = arith.constant 512 : i32
      %scan3A_427 = arith.addi %scan3A_425, %scan3A_426 : i32
      %scan3A_428 = arith.constant 1 : i32
      scf.for %scan3A_493 = %scan3A_425 to %scan3A_427 step %scan3A_428  : i32 {
        %jit3A_494 = arith.constant 128 : i32
        %div3A_495 = arith.divsi %scan3A_493, %jit3A_494 : i32
        %sign3A_496 = arith.constant 0 : i32
        %sign3A_497 = arith.cmpi sgt, %scan3A_493, %sign3A_496 : i32
        %sign3A_498 = arith.extui %sign3A_497 : i1 to i32
        %sign3A_499 = arith.constant 0 : i32
        %sign3A_500 = arith.cmpi slt, %scan3A_493, %sign3A_499 : i32
        %sign3A_501 = arith.extui %sign3A_500 : i1 to i32
        %sign3A_502 = arith.subi %sign3A_498, %sign3A_501 : i32
        %sign3A_503 = arith.constant 0 : i32
        %sign3A_504 = arith.cmpi sgt, %jit3A_494, %sign3A_503 : i32
        %sign3A_505 = arith.extui %sign3A_504 : i1 to i32
        %sign3A_506 = arith.constant 0 : i32
        %sign3A_507 = arith.cmpi slt, %jit3A_494, %sign3A_506 : i32
        %sign3A_508 = arith.extui %sign3A_507 : i1 to i32
        %sign3A_509 = arith.subi %sign3A_505, %sign3A_508 : i32
        %ne3A_510 = arith.cmpi ne, %sign3A_502, %sign3A_509 : i32
        %rem3A_511 = arith.remsi %scan3A_493, %jit3A_494 : i32
        %ne3A_512 = arith.constant 0 : i32
        %ne3A_513 = arith.cmpi ne, %rem3A_511, %ne3A_512 : i32
        %and3A_514 = arith.andi %ne3A_510, %ne3A_513 : i1
        %sub3A_515 = arith.constant 1 : i32
        %sub3A_516 = arith.subi %div3A_495, %sub3A_515 : i32
        %select_n3A_517 = arith.select %and3A_514, %sub3A_516, %div3A_495 : i32
        %broadcast_in_dim3A = vector.broadcast %select_n3A_517 : i32 to vector<16xi32>
        %jit3A_518 = arith.constant 128 : i32
        %eq3A_519 = arith.constant 0 : i32
        %eq3A_520 = arith.cmpi eq, %jit3A_518, %eq3A_519 : i32
        %jit3A_521 = arith.constant 1 : i32
        %select_n3A_522 = arith.select %eq3A_520, %jit3A_521, %jit3A_518 : i32
        %rem3A_523 = arith.remsi %scan3A_493, %select_n3A_522 : i32
        %ne3A_524 = arith.constant 0 : i32
        %ne3A_525 = arith.cmpi ne, %rem3A_523, %ne3A_524 : i32
        %lt3A_526 = arith.constant 0 : i32
        %lt3A_527 = arith.cmpi slt, %rem3A_523, %lt3A_526 : i32
        %lt3A_528 = arith.constant 0 : i32
        %lt3A_529 = arith.cmpi slt, %select_n3A_522, %lt3A_528 : i32
        %ne3A_530 = arith.xori %lt3A_527, %lt3A_529 : i1
        %and3A_531 = arith.andi %ne3A_530, %ne3A_525 : i1
        %add3A_532 = arith.addi %rem3A_523, %select_n3A_522 : i32
        %select_n3A_533 = arith.select %and3A_531, %add3A_532, %rem3A_523 : i32
        %broadcast_in_dim3A_534 = vector.broadcast %select_n3A_533 : i32 to vector<16xi32>
        %get3A = arith.index_cast %scan3A_493 : i32 to index
        %get3A_535 = arith.constant 0 : index
        %get3A_536 = tpu.vector_load %arg6[%get3A, %get3A_535] {strides = array<i32>} : memref<512x32xf32, #tpu.memory_space<vmem>>, vector<16xf32>,
        %get3A_537 = arith.index_cast %scan3A_493 : i32 to index
        %get3A_538 = arith.constant 16 : index
        %get3A_539 = tpu.vector_load %arg6[%get3A_537, %get3A_538] {strides = array<i32>} : memref<512x32xf32, #tpu.memory_space<vmem>>, vector<16xf32>,
        tpu.vector_store_idx %arg8[%broadcast_in_dim3A, %select_n3A, %select_n3A_43, %broadcast_in_dim3A_534], %get3A_536 : memref<4x4x8x129xf32, #tpu.memory_space<vmem>>[vector<16xi32>, vector<16xi32>, vector<16xi32>, vector<16xi32>], vector<16xf32>,
        tpu.vector_store_idx %arg8[%broadcast_in_dim3A, %select_n3A_77, %select_n3A_102, %broadcast_in_dim3A_534], %get3A_539 : memref<4x4x8x129xf32, #tpu.memory_space<vmem>>[vector<16xi32>, vector<16xi32>, vector<16xi32>, vector<16xi32>], vector<16xf32>,
      }
      %scan3A_429 = arith.constant 512 : i32
      %mul3A_430 = arith.constant 4 : i32
      %mul3A_431 = arith.muli %mul3A_196, %mul3A_430 : i32
      %dma_start3A_432 = arith.constant 0 : i32
      %dma_start3A_433 = arith.constant 0 : i32
      %dma_start3A_434 = arith.constant 0 : i32
      %dma_start3A_435 = arith.constant 0 : i32
      %dma_start3A_436 = tpu.memref_slice %arg8[%dma_start3A_432, %dma_start3A_433, %dma_start3A_434, %dma_start3A_435] : memref<4x4x8x129xf32, #tpu.memory_space<vmem>> -> memref<4x4x8x128xf32, #tpu.memory_space<vmem>>
      %dma_start3A_437 = arith.constant 0 : i32
      %dma_start3A_438 = arith.constant 0 : i32
      %dma_start3A_439 = arith.constant 0 : i32
      %dma_start3A_440 = tpu.memref_slice %arg4[%mul3A_431, %dma_start3A_437, %add3A, %dma_start3A_438, %dma_start3A_439] : memref<200x4x32x8x128xf32, #tpu.memory_space<hbm>> -> memref<4x4x1x8x128xf32, #tpu.memory_space<hbm>>
      %dma_start3A_441 = tpu.memref_squeeze %dma_start3A_440 : memref<4x4x1x8x128xf32, #tpu.memory_space<hbm>> -> memref<4x4x8x128xf32, #tpu.memory_space<hbm>>
      %dma_start3A_442 = arith.constant 0 : i32
      %dma_start3A_443 = arith.constant 0 : i32
      %dma_start3A_444 = arith.constant 0 : i32
      %dma_start3A_445 = tpu.memref_slice %arg4[%mul3A_431, %dma_start3A_442, %add3A, %dma_start3A_443, %dma_start3A_444] : memref<200x4x32x8x128xf32, #tpu.memory_space<hbm>> -> memref<4x4x1x8x128xf32, #tpu.memory_space<hbm>>
      %dma_start3A_446 = tpu.memref_squeeze %dma_start3A_445 : memref<4x4x1x8x128xf32, #tpu.memory_space<hbm>> -> memref<4x4x8x128xf32, #tpu.memory_space<hbm>>
      %dma_start3A_447 = arith.constant 0 : i32
      %dma_start3A_448 = arith.constant 0 : i32
      %dma_start3A_449 = arith.constant 0 : i32
      %dma_start3A_450 = arith.constant 0 : i32
      %dma_start3A_451 = tpu.memref_slice %arg8[%dma_start3A_447, %dma_start3A_448, %dma_start3A_449, %dma_start3A_450] : memref<4x4x8x129xf32, #tpu.memory_space<vmem>> -> memref<4x4x8x128xf32, #tpu.memory_space<vmem>>
      tpu.enqueue_dma source(%dma_start3A_451 : memref<4x4x8x128xf32, #tpu.memory_space<vmem>>) target(%dma_start3A_446 : memref<4x4x8x128xf32, #tpu.memory_space<hbm>>) target_semaphore(%arg11 : memref<!tpu.dma_semaphore, #tpu.memory_space<semaphore_mem>>)
      %lt3A_452 = arith.constant 24 : i32
      %lt3A_453 = arith.cmpi slt, %scan3A_194, %lt3A_452 : i32
      %convert_element_type3A_454 = arith.extui %lt3A_453 : i1 to i32
      %cond3A_455 = arith.constant 0 : i32
      %cond3A_456 = arith.cmpi ne, %convert_element_type3A_454, %cond3A_455 : i32
      scf.if %cond3A_456 {
        %add3A_493 = arith.constant 2 : i32
        %add3A_494 = arith.addi %mul3A_196, %add3A_493 : i32
        %mul3A_495 = arith.constant 4 : i32
        %mul3A_496 = arith.muli %add3A_494, %mul3A_495 : i32
        %add3A_497 = arith.constant 0 : i32
        %add3A_498 = arith.addi %mul3A_496, %add3A_497 : i32
        %jit3A_499 = arith.constant 8 : i32
        %div3A_500 = arith.divsi %add3A_498, %jit3A_499 : i32
        %sign3A_501 = arith.constant 0 : i32
        %sign3A_502 = arith.cmpi sgt, %add3A_498, %sign3A_501 : i32
        %sign3A_503 = arith.extui %sign3A_502 : i1 to i32
        %sign3A_504 = arith.constant 0 : i32
        %sign3A_505 = arith.cmpi slt, %add3A_498, %sign3A_504 : i32
        %sign3A_506 = arith.extui %sign3A_505 : i1 to i32
        %sign3A_507 = arith.subi %sign3A_503, %sign3A_506 : i32
        %sign3A_508 = arith.constant 0 : i32
        %sign3A_509 = arith.cmpi sgt, %jit3A_499, %sign3A_508 : i32
        %sign3A_510 = arith.extui %sign3A_509 : i1 to i32
        %sign3A_511 = arith.constant 0 : i32
        %sign3A_512 = arith.cmpi slt, %jit3A_499, %sign3A_511 : i32
        %sign3A_513 = arith.extui %sign3A_512 : i1 to i32
        %sign3A_514 = arith.subi %sign3A_510, %sign3A_513 : i32
        %ne3A_515 = arith.cmpi ne, %sign3A_507, %sign3A_514 : i32
        %rem3A_516 = arith.remsi %add3A_498, %jit3A_499 : i32
        %ne3A_517 = arith.constant 0 : i32
        %ne3A_518 = arith.cmpi ne, %rem3A_516, %ne3A_517 : i32
        %and3A_519 = arith.andi %ne3A_515, %ne3A_518 : i1
        %sub3A_520 = arith.constant 1 : i32
        %sub3A_521 = arith.subi %div3A_500, %sub3A_520 : i32
        %select_n3A_522 = arith.select %and3A_519, %sub3A_521, %div3A_500 : i32
        %jit3A_523 = arith.constant 8 : i32
        %eq3A_524 = arith.constant 0 : i32
        %eq3A_525 = arith.cmpi eq, %jit3A_523, %eq3A_524 : i32
        %jit3A_526 = arith.constant 1 : i32
        %select_n3A_527 = arith.select %eq3A_525, %jit3A_526, %jit3A_523 : i32
        %rem3A_528 = arith.remsi %add3A_498, %select_n3A_527 : i32
        %ne3A_529 = arith.constant 0 : i32
        %ne3A_530 = arith.cmpi ne, %rem3A_528, %ne3A_529 : i32
        %lt3A_531 = arith.constant 0 : i32
        %lt3A_532 = arith.cmpi slt, %rem3A_528, %lt3A_531 : i32
        %lt3A_533 = arith.constant 0 : i32
        %lt3A_534 = arith.cmpi slt, %select_n3A_527, %lt3A_533 : i32
        %ne3A_535 = arith.xori %lt3A_532, %lt3A_534 : i1
        %and3A_536 = arith.andi %ne3A_535, %ne3A_530 : i1
        %add3A_537 = arith.addi %rem3A_528, %select_n3A_527 : i32
        %select_n3A_538 = arith.select %and3A_536, %add3A_537, %rem3A_528 : i32
        %dma_start3A_539 = arith.constant 0 : i32
        %dma_start3A_540 = arith.constant 0 : i32
        %dma_start3A_541 = tpu.memref_slice %arg6[%dma_start3A_539, %dma_start3A_540] : memref<512x32xf32, #tpu.memory_space<vmem>> -> memref<128x32xf32, #tpu.memory_space<vmem>>
        %dma_start3A_542 = arith.constant 0 : i32
        %dma_start3A_543 = tpu.memref_slice %arg5[%select_n3A_522, %select_n3A_538, %dma_start3A_542] : memref<25x8x128xi32, #tpu.memory_space<vmem>> -> memref<1x1x128xi32, #tpu.memory_space<vmem>>
        %dma_start3A_544 = tpu.memref_squeeze %dma_start3A_543 : memref<1x1x128xi32, #tpu.memory_space<vmem>> -> memref<128xi32, #tpu.memory_space<vmem>>
        %dma_start3A_545 = arith.constant 0 : i32
        %dma_start3A_546 = arith.constant 0 : i32
        %dma_start3A_547 = tpu.memref_slice %arg2[%dma_start3A_545, %dma_start3A_546] : memref<1000000x32xf32, #tpu.memory_space<hbm>> -> memref<1000000x32xf32, #tpu.memory_space<hbm>>
        tpu.enqueue_indirect_dma source(%dma_start3A_547 : memref<1000000x32xf32, #tpu.memory_space<hbm>>) target(%dma_start3A_541 : memref<128x32xf32, #tpu.memory_space<vmem>>) offsets(%dma_start3A_544 : memref<128xi32, #tpu.memory_space<vmem>>) semaphore(%arg10 : memref<!tpu.dma_semaphore, #tpu.memory_space<semaphore_mem>>)
        %mul3A_548 = arith.constant 4 : i32
        %mul3A_549 = arith.muli %add3A_494, %mul3A_548 : i32
        %add3A_550 = arith.constant 1 : i32
        %add3A_551 = arith.addi %mul3A_549, %add3A_550 : i32
        %jit3A_552 = arith.constant 8 : i32
        %div3A_553 = arith.divsi %add3A_551, %jit3A_552 : i32
        %sign3A_554 = arith.constant 0 : i32
        %sign3A_555 = arith.cmpi sgt, %add3A_551, %sign3A_554 : i32
        %sign3A_556 = arith.extui %sign3A_555 : i1 to i32
        %sign3A_557 = arith.constant 0 : i32
        %sign3A_558 = arith.cmpi slt, %add3A_551, %sign3A_557 : i32
        %sign3A_559 = arith.extui %sign3A_558 : i1 to i32
        %sign3A_560 = arith.subi %sign3A_556, %sign3A_559 : i32
        %sign3A_561 = arith.constant 0 : i32
        %sign3A_562 = arith.cmpi sgt, %jit3A_552, %sign3A_561 : i32
        %sign3A_563 = arith.extui %sign3A_562 : i1 to i32
        %sign3A_564 = arith.constant 0 : i32
        %sign3A_565 = arith.cmpi slt, %jit3A_552, %sign3A_564 : i32
        %sign3A_566 = arith.extui %sign3A_565 : i1 to i32
        %sign3A_567 = arith.subi %sign3A_563, %sign3A_566 : i32
        %ne3A_568 = arith.cmpi ne, %sign3A_560, %sign3A_567 : i32
        %rem3A_569 = arith.remsi %add3A_551, %jit3A_552 : i32
        %ne3A_570 = arith.constant 0 : i32
        %ne3A_571 = arith.cmpi ne, %rem3A_569, %ne3A_570 : i32
        %and3A_572 = arith.andi %ne3A_568, %ne3A_571 : i1
        %sub3A_573 = arith.constant 1 : i32
        %sub3A_574 = arith.subi %div3A_553, %sub3A_573 : i32
        %select_n3A_575 = arith.select %and3A_572, %sub3A_574, %div3A_553 : i32
        %jit3A_576 = arith.constant 8 : i32
        %eq3A_577 = arith.constant 0 : i32
        %eq3A_578 = arith.cmpi eq, %jit3A_576, %eq3A_577 : i32
        %jit3A_579 = arith.constant 1 : i32
        %select_n3A_580 = arith.select %eq3A_578, %jit3A_579, %jit3A_576 : i32
        %rem3A_581 = arith.remsi %add3A_551, %select_n3A_580 : i32
        %ne3A_582 = arith.constant 0 : i32
        %ne3A_583 = arith.cmpi ne, %rem3A_581, %ne3A_582 : i32
        %lt3A_584 = arith.constant 0 : i32
        %lt3A_585 = arith.cmpi slt, %rem3A_581, %lt3A_584 : i32
        %lt3A_586 = arith.constant 0 : i32
        %lt3A_587 = arith.cmpi slt, %select_n3A_580, %lt3A_586 : i32
        %ne3A_588 = arith.xori %lt3A_585, %lt3A_587 : i1
        %and3A_589 = arith.andi %ne3A_588, %ne3A_583 : i1
        %add3A_590 = arith.addi %rem3A_581, %select_n3A_580 : i32
        %select_n3A_591 = arith.select %and3A_589, %add3A_590, %rem3A_581 : i32
        %dma_start3A_592 = arith.constant 128 : i32
        %dma_start3A_593 = arith.constant 0 : i32
        %dma_start3A_594 = tpu.memref_slice %arg6[%dma_start3A_592, %dma_start3A_593] : memref<512x32xf32, #tpu.memory_space<vmem>> -> memref<128x32xf32, #tpu.memory_space<vmem>>
        %dma_start3A_595 = arith.constant 0 : i32
        %dma_start3A_596 = tpu.memref_slice %arg5[%select_n3A_575, %select_n3A_591, %dma_start3A_595] : memref<25x8x128xi32, #tpu.memory_space<vmem>> -> memref<1x1x128xi32, #tpu.memory_space<vmem>>
        %dma_start3A_597 = tpu.memref_squeeze %dma_start3A_596 : memref<1x1x128xi32, #tpu.memory_space<vmem>> -> memref<128xi32, #tpu.memory_space<vmem>>
        %dma_start3A_598 = arith.constant 0 : i32
        %dma_start3A_599 = arith.constant 0 : i32
        %dma_start3A_600 = tpu.memref_slice %arg2[%dma_start3A_598, %dma_start3A_599] : memref<1000000x32xf32, #tpu.memory_space<hbm>> -> memref<1000000x32xf32, #tpu.memory_space<hbm>>
        tpu.enqueue_indirect_dma source(%dma_start3A_600 : memref<1000000x32xf32, #tpu.memory_space<hbm>>) target(%dma_start3A_594 : memref<128x32xf32, #tpu.memory_space<vmem>>) offsets(%dma_start3A_597 : memref<128xi32, #tpu.memory_space<vmem>>) semaphore(%arg10 : memref<!tpu.dma_semaphore, #tpu.memory_space<semaphore_mem>>)
        %mul3A_601 = arith.constant 4 : i32
        %mul3A_602 = arith.muli %add3A_494, %mul3A_601 : i32
        %add3A_603 = arith.constant 2 : i32
        %add3A_604 = arith.addi %mul3A_602, %add3A_603 : i32
        %jit3A_605 = arith.constant 8 : i32
        %div3A_606 = arith.divsi %add3A_604, %jit3A_605 : i32
        %sign3A_607 = arith.constant 0 : i32
        %sign3A_608 = arith.cmpi sgt, %add3A_604, %sign3A_607 : i32
        %sign3A_609 = arith.extui %sign3A_608 : i1 to i32
        %sign3A_610 = arith.constant 0 : i32
        %sign3A_611 = arith.cmpi slt, %add3A_604, %sign3A_610 : i32
        %sign3A_612 = arith.extui %sign3A_611 : i1 to i32
        %sign3A_613 = arith.subi %sign3A_609, %sign3A_612 : i32
        %sign3A_614 = arith.constant 0 : i32
        %sign3A_615 = arith.cmpi sgt, %jit3A_605, %sign3A_614 : i32
        %sign3A_616 = arith.extui %sign3A_615 : i1 to i32
        %sign3A_617 = arith.constant 0 : i32
        %sign3A_618 = arith.cmpi slt, %jit3A_605, %sign3A_617 : i32
        %sign3A_619 = arith.extui %sign3A_618 : i1 to i32
        %sign3A_620 = arith.subi %sign3A_616, %sign3A_619 : i32
        %ne3A_621 = arith.cmpi ne, %sign3A_613, %sign3A_620 : i32
        %rem3A_622 = arith.remsi %add3A_604, %jit3A_605 : i32
        %ne3A_623 = arith.constant 0 : i32
        %ne3A_624 = arith.cmpi ne, %rem3A_622, %ne3A_623 : i32
        %and3A_625 = arith.andi %ne3A_621, %ne3A_624 : i1
        %sub3A_626 = arith.constant 1 : i32
        %sub3A_627 = arith.subi %div3A_606, %sub3A_626 : i32
        %select_n3A_628 = arith.select %and3A_625, %sub3A_627, %div3A_606 : i32
        %jit3A_629 = arith.constant 8 : i32
        %eq3A_630 = arith.constant 0 : i32
        %eq3A_631 = arith.cmpi eq, %jit3A_629, %eq3A_630 : i32
        %jit3A_632 = arith.constant 1 : i32
        %select_n3A_633 = arith.select %eq3A_631, %jit3A_632, %jit3A_629 : i32
        %rem3A_634 = arith.remsi %add3A_604, %select_n3A_633 : i32
        %ne3A_635 = arith.constant 0 : i32
        %ne3A_636 = arith.cmpi ne, %rem3A_634, %ne3A_635 : i32
        %lt3A_637 = arith.constant 0 : i32
        %lt3A_638 = arith.cmpi slt, %rem3A_634, %lt3A_637 : i32
        %lt3A_639 = arith.constant 0 : i32
        %lt3A_640 = arith.cmpi slt, %select_n3A_633, %lt3A_639 : i32
        %ne3A_641 = arith.xori %lt3A_638, %lt3A_640 : i1
        %and3A_642 = arith.andi %ne3A_641, %ne3A_636 : i1
        %add3A_643 = arith.addi %rem3A_634, %select_n3A_633 : i32
        %select_n3A_644 = arith.select %and3A_642, %add3A_643, %rem3A_634 : i32
        %dma_start3A_645 = arith.constant 256 : i32
        %dma_start3A_646 = arith.constant 0 : i32
        %dma_start3A_647 = tpu.memref_slice %arg6[%dma_start3A_645, %dma_start3A_646] : memref<512x32xf32, #tpu.memory_space<vmem>> -> memref<128x32xf32, #tpu.memory_space<vmem>>
        %dma_start3A_648 = arith.constant 0 : i32
        %dma_start3A_649 = tpu.memref_slice %arg5[%select_n3A_628, %select_n3A_644, %dma_start3A_648] : memref<25x8x128xi32, #tpu.memory_space<vmem>> -> memref<1x1x128xi32, #tpu.memory_space<vmem>>
        %dma_start3A_650 = tpu.memref_squeeze %dma_start3A_649 : memref<1x1x128xi32, #tpu.memory_space<vmem>> -> memref<128xi32, #tpu.memory_space<vmem>>
        %dma_start3A_651 = arith.constant 0 : i32
        %dma_start3A_652 = arith.constant 0 : i32
        %dma_start3A_653 = tpu.memref_slice %arg2[%dma_start3A_651, %dma_start3A_652] : memref<1000000x32xf32, #tpu.memory_space<hbm>> -> memref<1000000x32xf32, #tpu.memory_space<hbm>>
        tpu.enqueue_indirect_dma source(%dma_start3A_653 : memref<1000000x32xf32, #tpu.memory_space<hbm>>) target(%dma_start3A_647 : memref<128x32xf32, #tpu.memory_space<vmem>>) offsets(%dma_start3A_650 : memref<128xi32, #tpu.memory_space<vmem>>) semaphore(%arg10 : memref<!tpu.dma_semaphore, #tpu.memory_space<semaphore_mem>>)
        %mul3A_654 = arith.constant 4 : i32
        %mul3A_655 = arith.muli %add3A_494, %mul3A_654 : i32
        %add3A_656 = arith.constant 3 : i32
        %add3A_657 = arith.addi %mul3A_655, %add3A_656 : i32
        %jit3A_658 = arith.constant 8 : i32
        %div3A_659 = arith.divsi %add3A_657, %jit3A_658 : i32
        %sign3A_660 = arith.constant 0 : i32
        %sign3A_661 = arith.cmpi sgt, %add3A_657, %sign3A_660 : i32
        %sign3A_662 = arith.extui %sign3A_661 : i1 to i32
        %sign3A_663 = arith.constant 0 : i32
        %sign3A_664 = arith.cmpi slt, %add3A_657, %sign3A_663 : i32
        %sign3A_665 = arith.extui %sign3A_664 : i1 to i32
        %sign3A_666 = arith.subi %sign3A_662, %sign3A_665 : i32
        %sign3A_667 = arith.constant 0 : i32
        %sign3A_668 = arith.cmpi sgt, %jit3A_658, %sign3A_667 : i32
        %sign3A_669 = arith.extui %sign3A_668 : i1 to i32
        %sign3A_670 = arith.constant 0 : i32
        %sign3A_671 = arith.cmpi slt, %jit3A_658, %sign3A_670 : i32
        %sign3A_672 = arith.extui %sign3A_671 : i1 to i32
        %sign3A_673 = arith.subi %sign3A_669, %sign3A_672 : i32
        %ne3A_674 = arith.cmpi ne, %sign3A_666, %sign3A_673 : i32
        %rem3A_675 = arith.remsi %add3A_657, %jit3A_658 : i32
        %ne3A_676 = arith.constant 0 : i32
        %ne3A_677 = arith.cmpi ne, %rem3A_675, %ne3A_676 : i32
        %and3A_678 = arith.andi %ne3A_674, %ne3A_677 : i1
        %sub3A_679 = arith.constant 1 : i32
        %sub3A_680 = arith.subi %div3A_659, %sub3A_679 : i32
        %select_n3A_681 = arith.select %and3A_678, %sub3A_680, %div3A_659 : i32
        %jit3A_682 = arith.constant 8 : i32
        %eq3A_683 = arith.constant 0 : i32
        %eq3A_684 = arith.cmpi eq, %jit3A_682, %eq3A_683 : i32
        %jit3A_685 = arith.constant 1 : i32
        %select_n3A_686 = arith.select %eq3A_684, %jit3A_685, %jit3A_682 : i32
        %rem3A_687 = arith.remsi %add3A_657, %select_n3A_686 : i32
        %ne3A_688 = arith.constant 0 : i32
        %ne3A_689 = arith.cmpi ne, %rem3A_687, %ne3A_688 : i32
        %lt3A_690 = arith.constant 0 : i32
        %lt3A_691 = arith.cmpi slt, %rem3A_687, %lt3A_690 : i32
        %lt3A_692 = arith.constant 0 : i32
        %lt3A_693 = arith.cmpi slt, %select_n3A_686, %lt3A_692 : i32
        %ne3A_694 = arith.xori %lt3A_691, %lt3A_693 : i1
        %and3A_695 = arith.andi %ne3A_694, %ne3A_689 : i1
        %add3A_696 = arith.addi %rem3A_687, %select_n3A_686 : i32
        %select_n3A_697 = arith.select %and3A_695, %add3A_696, %rem3A_687 : i32
        %dma_start3A_698 = arith.constant 384 : i32
        %dma_start3A_699 = arith.constant 0 : i32
        %dma_start3A_700 = tpu.memref_slice %arg6[%dma_start3A_698, %dma_start3A_699] : memref<512x32xf32, #tpu.memory_space<vmem>> -> memref<128x32xf32, #tpu.memory_space<vmem>>
        %dma_start3A_701 = arith.constant 0 : i32
        %dma_start3A_702 = tpu.memref_slice %arg5[%select_n3A_681, %select_n3A_697, %dma_start3A_701] : memref<25x8x128xi32, #tpu.memory_space<vmem>> -> memref<1x1x128xi32, #tpu.memory_space<vmem>>
        %dma_start3A_703 = tpu.memref_squeeze %dma_start3A_702 : memref<1x1x128xi32, #tpu.memory_space<vmem>> -> memref<128xi32, #tpu.memory_space<vmem>>
        %dma_start3A_704 = arith.constant 0 : i32
        %dma_start3A_705 = arith.constant 0 : i32
        %dma_start3A_706 = tpu.memref_slice %arg2[%dma_start3A_704, %dma_start3A_705] : memref<1000000x32xf32, #tpu.memory_space<hbm>> -> memref<1000000x32xf32, #tpu.memory_space<hbm>>
        tpu.enqueue_indirect_dma source(%dma_start3A_706 : memref<1000000x32xf32, #tpu.memory_space<hbm>>) target(%dma_start3A_700 : memref<128x32xf32, #tpu.memory_space<vmem>>) offsets(%dma_start3A_703 : memref<128xi32, #tpu.memory_space<vmem>>) semaphore(%arg10 : memref<!tpu.dma_semaphore, #tpu.memory_space<semaphore_mem>>)
      } else {
      }
      %dma_wait3A_457 = arith.constant 0 : i32
      %dma_wait3A_458 = arith.constant 0 : i32
      %dma_wait3A_459 = tpu.memref_slice %arg2[%dma_wait3A_457, %dma_wait3A_458] : memref<1000000x32xf32, #tpu.memory_space<hbm>> -> memref<512x32xf32, #tpu.memory_space<hbm>>
      %dma_wait3A_460 = arith.constant 0 : i32
      %dma_wait3A_461 = arith.constant 0 : i32
      %dma_wait3A_462 = tpu.memref_slice %arg2[%dma_wait3A_460, %dma_wait3A_461] : memref<1000000x32xf32, #tpu.memory_space<hbm>> -> memref<512x32xf32, #tpu.memory_space<hbm>>
      tpu.wait_dma2 semaphore(%arg10 : memref<!tpu.dma_semaphore, #tpu.memory_space<semaphore_mem>>) src(%dma_wait3A_462 : memref<512x32xf32, #tpu.memory_space<hbm>>) dst(%arg7 : memref<512x32xf32, #tpu.memory_space<vmem>>)
      %scan3A_463 = arith.constant 0 : i32
      %scan3A_464 = arith.constant 0 : i32
      %scan3A_465 = arith.constant 512 : i32
      %scan3A_466 = arith.addi %scan3A_464, %scan3A_465 : i32
      %scan3A_467 = arith.constant 1 : i32
      scf.for %scan3A_493 = %scan3A_464 to %scan3A_466 step %scan3A_467  : i32 {
        %jit3A_494 = arith.constant 128 : i32
        %div3A_495 = arith.divsi %scan3A_493, %jit3A_494 : i32
        %sign3A_496 = arith.constant 0 : i32
        %sign3A_497 = arith.cmpi sgt, %scan3A_493, %sign3A_496 : i32
        %sign3A_498 = arith.extui %sign3A_497 : i1 to i32
        %sign3A_499 = arith.constant 0 : i32
        %sign3A_500 = arith.cmpi slt, %scan3A_493, %sign3A_499 : i32
        %sign3A_501 = arith.extui %sign3A_500 : i1 to i32
        %sign3A_502 = arith.subi %sign3A_498, %sign3A_501 : i32
        %sign3A_503 = arith.constant 0 : i32
        %sign3A_504 = arith.cmpi sgt, %jit3A_494, %sign3A_503 : i32
        %sign3A_505 = arith.extui %sign3A_504 : i1 to i32
        %sign3A_506 = arith.constant 0 : i32
        %sign3A_507 = arith.cmpi slt, %jit3A_494, %sign3A_506 : i32
        %sign3A_508 = arith.extui %sign3A_507 : i1 to i32
        %sign3A_509 = arith.subi %sign3A_505, %sign3A_508 : i32
        %ne3A_510 = arith.cmpi ne, %sign3A_502, %sign3A_509 : i32
        %rem3A_511 = arith.remsi %scan3A_493, %jit3A_494 : i32
        %ne3A_512 = arith.constant 0 : i32
        %ne3A_513 = arith.cmpi ne, %rem3A_511, %ne3A_512 : i32
        %and3A_514 = arith.andi %ne3A_510, %ne3A_513 : i1
        %sub3A_515 = arith.constant 1 : i32
        %sub3A_516 = arith.subi %div3A_495, %sub3A_515 : i32
        %select_n3A_517 = arith.select %and3A_514, %sub3A_516, %div3A_495 : i32
        %broadcast_in_dim3A = vector.broadcast %select_n3A_517 : i32 to vector<16xi32>
        %jit3A_518 = arith.constant 128 : i32
        %eq3A_519 = arith.constant 0 : i32
        %eq3A_520 = arith.cmpi eq, %jit3A_518, %eq3A_519 : i32
        %jit3A_521 = arith.constant 1 : i32
        %select_n3A_522 = arith.select %eq3A_520, %jit3A_521, %jit3A_518 : i32
        %rem3A_523 = arith.remsi %scan3A_493, %select_n3A_522 : i32
        %ne3A_524 = arith.constant 0 : i32
        %ne3A_525 = arith.cmpi ne, %rem3A_523, %ne3A_524 : i32
        %lt3A_526 = arith.constant 0 : i32
        %lt3A_527 = arith.cmpi slt, %rem3A_523, %lt3A_526 : i32
        %lt3A_528 = arith.constant 0 : i32
        %lt3A_529 = arith.cmpi slt, %select_n3A_522, %lt3A_528 : i32
        %ne3A_530 = arith.xori %lt3A_527, %lt3A_529 : i1
        %and3A_531 = arith.andi %ne3A_530, %ne3A_525 : i1
        %add3A_532 = arith.addi %rem3A_523, %select_n3A_522 : i32
        %select_n3A_533 = arith.select %and3A_531, %add3A_532, %rem3A_523 : i32
        %broadcast_in_dim3A_534 = vector.broadcast %select_n3A_533 : i32 to vector<16xi32>
        %get3A = arith.index_cast %scan3A_493 : i32 to index
        %get3A_535 = arith.constant 0 : index
        %get3A_536 = tpu.vector_load %arg7[%get3A, %get3A_535] {strides = array<i32>} : memref<512x32xf32, #tpu.memory_space<vmem>>, vector<16xf32>,
        %get3A_537 = arith.index_cast %scan3A_493 : i32 to index
        %get3A_538 = arith.constant 16 : index
        %get3A_539 = tpu.vector_load %arg7[%get3A_537, %get3A_538] {strides = array<i32>} : memref<512x32xf32, #tpu.memory_space<vmem>>, vector<16xf32>,
        tpu.vector_store_idx %arg9[%broadcast_in_dim3A, %select_n3A, %select_n3A_43, %broadcast_in_dim3A_534], %get3A_536 : memref<4x4x8x129xf32, #tpu.memory_space<vmem>>[vector<16xi32>, vector<16xi32>, vector<16xi32>, vector<16xi32>], vector<16xf32>,
        tpu.vector_store_idx %arg9[%broadcast_in_dim3A, %select_n3A_77, %select_n3A_102, %broadcast_in_dim3A_534], %get3A_539 : memref<4x4x8x129xf32, #tpu.memory_space<vmem>>[vector<16xi32>, vector<16xi32>, vector<16xi32>, vector<16xi32>], vector<16xf32>,
      }
      %scan3A_468 = arith.constant 512 : i32
      %add3A_469 = arith.constant 1 : i32
      %add3A_470 = arith.addi %mul3A_196, %add3A_469 : i32
      %mul3A_471 = arith.constant 4 : i32
      %mul3A_472 = arith.muli %add3A_470, %mul3A_471 : i32
      %dma_start3A_473 = arith.constant 0 : i32
      %dma_start3A_474 = arith.constant 0 : i32
      %dma_start3A_475 = arith.constant 0 : i32
      %dma_start3A_476 = arith.constant 0 : i32
      %dma_start3A_477 = tpu.memref_slice %arg9[%dma_start3A_473, %dma_start3A_474, %dma_start3A_475, %dma_start3A_476] : memref<4x4x8x129xf32, #tpu.memory_space<vmem>> -> memref<4x4x8x128xf32, #tpu.memory_space<vmem>>
      %dma_start3A_478 = arith.constant 0 : i32
      %dma_start3A_479 = arith.constant 0 : i32
      %dma_start3A_480 = arith.constant 0 : i32
      %dma_start3A_481 = tpu.memref_slice %arg4[%mul3A_472, %dma_start3A_478, %add3A, %dma_start3A_479, %dma_start3A_480] : memref<200x4x32x8x128xf32, #tpu.memory_space<hbm>> -> memref<4x4x1x8x128xf32, #tpu.memory_space<hbm>>
      %dma_start3A_482 = tpu.memref_squeeze %dma_start3A_481 : memref<4x4x1x8x128xf32, #tpu.memory_space<hbm>> -> memref<4x4x8x128xf32, #tpu.memory_space<hbm>>
      %dma_start3A_483 = arith.constant 0 : i32
      %dma_start3A_484 = arith.constant 0 : i32
      %dma_start3A_485 = arith.constant 0 : i32
      %dma_start3A_486 = tpu.memref_slice %arg4[%mul3A_472, %dma_start3A_483, %add3A, %dma_start3A_484, %dma_start3A_485] : memref<200x4x32x8x128xf32, #tpu.memory_space<hbm>> -> memref<4x4x1x8x128xf32, #tpu.memory_space<hbm>>
      %dma_start3A_487 = tpu.memref_squeeze %dma_start3A_486 : memref<4x4x1x8x128xf32, #tpu.memory_space<hbm>> -> memref<4x4x8x128xf32, #tpu.memory_space<hbm>>
      %dma_start3A_488 = arith.constant 0 : i32
      %dma_start3A_489 = arith.constant 0 : i32
      %dma_start3A_490 = arith.constant 0 : i32
      %dma_start3A_491 = arith.constant 0 : i32
      %dma_start3A_492 = tpu.memref_slice %arg9[%dma_start3A_488, %dma_start3A_489, %dma_start3A_490, %dma_start3A_491] : memref<4x4x8x129xf32, #tpu.memory_space<vmem>> -> memref<4x4x8x128xf32, #tpu.memory_space<vmem>>
      tpu.enqueue_dma source(%dma_start3A_492 : memref<4x4x8x128xf32, #tpu.memory_space<vmem>>) target(%dma_start3A_487 : memref<4x4x8x128xf32, #tpu.memory_space<hbm>>) target_semaphore(%arg12 : memref<!tpu.dma_semaphore, #tpu.memory_space<semaphore_mem>>)
    }
    %scan3A_150 = arith.constant 25 : i32
    %dma_wait3A = arith.constant 0 : i32
    %dma_wait3A_151 = arith.constant 0 : i32
    %dma_wait3A_152 = arith.constant 0 : i32
    %dma_wait3A_153 = arith.constant 0 : i32
    %dma_wait3A_154 = tpu.memref_slice %arg8[%dma_wait3A, %dma_wait3A_151, %dma_wait3A_152, %dma_wait3A_153] : memref<4x4x8x129xf32, #tpu.memory_space<vmem>> -> memref<4x4x8x128xf32, #tpu.memory_space<vmem>>
    %dma_wait3A_155 = arith.constant 0 : i32
    %dma_wait3A_156 = arith.constant 0 : i32
    %dma_wait3A_157 = arith.constant 0 : i32
    %dma_wait3A_158 = arith.constant 0 : i32
    %dma_wait3A_159 = tpu.memref_slice %arg4[%dma_wait3A_155, %dma_wait3A_156, %add3A, %dma_wait3A_157, %dma_wait3A_158] : memref<200x4x32x8x128xf32, #tpu.memory_space<hbm>> -> memref<4x4x1x8x128xf32, #tpu.memory_space<hbm>>
    %dma_wait3A_160 = tpu.memref_squeeze %dma_wait3A_159 : memref<4x4x1x8x128xf32, #tpu.memory_space<hbm>> -> memref<4x4x8x128xf32, #tpu.memory_space<hbm>>
    %dma_wait3A_161 = arith.constant 0 : i32
    %dma_wait3A_162 = arith.constant 0 : i32
    %dma_wait3A_163 = arith.constant 0 : i32
    %dma_wait3A_164 = arith.constant 0 : i32
    %dma_wait3A_165 = tpu.memref_slice %arg4[%dma_wait3A_161, %dma_wait3A_162, %add3A, %dma_wait3A_163, %dma_wait3A_164] : memref<200x4x32x8x128xf32, #tpu.memory_space<hbm>> -> memref<4x4x1x8x128xf32, #tpu.memory_space<hbm>>
    %dma_wait3A_166 = tpu.memref_squeeze %dma_wait3A_165 : memref<4x4x1x8x128xf32, #tpu.memory_space<hbm>> -> memref<4x4x8x128xf32, #tpu.memory_space<hbm>>
    %dma_wait3A_167 = arith.constant 0 : i32
    %dma_wait3A_168 = arith.constant 0 : i32
    %dma_wait3A_169 = arith.constant 0 : i32
    %dma_wait3A_170 = arith.constant 0 : i32
    %dma_wait3A_171 = tpu.memref_slice %arg8[%dma_wait3A_167, %dma_wait3A_168, %dma_wait3A_169, %dma_wait3A_170] : memref<4x4x8x129xf32, #tpu.memory_space<vmem>> -> memref<4x4x8x128xf32, #tpu.memory_space<vmem>>
    tpu.wait_dma2 semaphore(%arg11 : memref<!tpu.dma_semaphore, #tpu.memory_space<semaphore_mem>>) src(%dma_wait3A_171 : memref<4x4x8x128xf32, #tpu.memory_space<vmem>>) dst(%dma_wait3A_166 : memref<4x4x8x128xf32, #tpu.memory_space<hbm>>)
    %dma_wait3A_172 = arith.constant 0 : i32
    %dma_wait3A_173 = arith.constant 0 : i32
    %dma_wait3A_174 = arith.constant 0 : i32
    %dma_wait3A_175 = arith.constant 0 : i32
    %dma_wait3A_176 = tpu.memref_slice %arg9[%dma_wait3A_172, %dma_wait3A_173, %dma_wait3A_174, %dma_wait3A_175] : memref<4x4x8x129xf32, #tpu.memory_space<vmem>> -> memref<4x4x8x128xf32, #tpu.memory_space<vmem>>
    %dma_wait3A_177 = arith.constant 0 : i32
    %dma_wait3A_178 = arith.constant 0 : i32
    %dma_wait3A_179 = arith.constant 0 : i32
    %dma_wait3A_180 = arith.constant 0 : i32
    %dma_wait3A_181 = tpu.memref_slice %arg4[%dma_wait3A_177, %dma_wait3A_178, %add3A, %dma_wait3A_179, %dma_wait3A_180] : memref<200x4x32x8x128xf32, #tpu.memory_space<hbm>> -> memref<4x4x1x8x128xf32, #tpu.memory_space<hbm>>
    %dma_wait3A_182 = tpu.memref_squeeze %dma_wait3A_181 : memref<4x4x1x8x128xf32, #tpu.memory_space<hbm>> -> memref<4x4x8x128xf32, #tpu.memory_space<hbm>>
    %dma_wait3A_183 = arith.constant 0 : i32
    %dma_wait3A_184 = arith.constant 0 : i32
    %dma_wait3A_185 = arith.constant 0 : i32
    %dma_wait3A_186 = arith.constant 0 : i32
    %dma_wait3A_187 = tpu.memref_slice %arg4[%dma_wait3A_183, %dma_wait3A_184, %add3A, %dma_wait3A_185, %dma_wait3A_186] : memref<200x4x32x8x128xf32, #tpu.memory_space<hbm>> -> memref<4x4x1x8x128xf32, #tpu.memory_space<hbm>>
    %dma_wait3A_188 = tpu.memref_squeeze %dma_wait3A_187 : memref<4x4x1x8x128xf32, #tpu.memory_space<hbm>> -> memref<4x4x8x128xf32, #tpu.memory_space<hbm>>
    %dma_wait3A_189 = arith.constant 0 : i32
    %dma_wait3A_190 = arith.constant 0 : i32
    %dma_wait3A_191 = arith.constant 0 : i32
    %dma_wait3A_192 = arith.constant 0 : i32
    %dma_wait3A_193 = tpu.memref_slice %arg9[%dma_wait3A_189, %dma_wait3A_190, %dma_wait3A_191, %dma_wait3A_192] : memref<4x4x8x129xf32, #tpu.memory_space<vmem>> -> memref<4x4x8x128xf32, #tpu.memory_space<vmem>>
    tpu.wait_dma2 semaphore(%arg12 : memref<!tpu.dma_semaphore, #tpu.memory_space<semaphore_mem>>) src(%dma_wait3A_193 : memref<4x4x8x128xf32, #tpu.memory_space<vmem>>) dst(%dma_wait3A_188 : memref<4x4x8x128xf32, #tpu.memory_space<hbm>>)
    return
  }
}

</mosaic_0001>

<sc_bundles>
// kernel: kernel.3.cloned.1.call-start
scs
__scs_entry_jumppad:
0x0: {  	(pc) =	sbr.rel $0x88, $3  }
0x1: {  	(tag) =	ssettag $0x0;
	lr =	simm.s32 $0x1  }
0x2: {  	[smem:$0x3F9F] =	sst lr;
	_ =	strace $0xD0000000  }
0x3: {  	_ = 	snop  }
0x4: {  	_ = 	snop  }
0x5: {  	_ = 	snop  }
0x6: {  	_ = 	snop  }
0x7: {  	_ = 	snop  }
__scs_overlays_trampoline_lowered:
0x8: {  	[smem:$0x3FAE] =	sst s0  }
0x9: {  	[smem:$0x3FAF] =	sst s1  }
0xa: {  	[smem:$0x3FB0] =	sst s2  }
0xb: {  	[smem:$0x3FB1] =	sst s3  }
0xc: {  	[smem:$0x3FB2] =	sst s4  }
0xd: {  	[smem:$0x3FB3] =	sst s5  }
0xe: {  	[smem:$0x3FB4] =	sst s6  }
0xf: {  	[smem:$0x3FB5] =	sst s7  }
0x10: {  	[smem:$0x3FB6] =	sst s8  }
0x11: {  	[smem:$0x3FB7] =	sst s9;
	s0 =	simm.s32 @!p0 $0x0  }
0x12: {  	s1 =	sld [smem:$0x3F9D];
	s0 =	simm.s32 @p0 $0x1  }
0x13: {  	[smem:$0x3FB8] =	sst s0;
	s0 =	simm.s32 @!p1 $0x0  }
0x14: {  	s2 =	sld [smem:$0x3F9C];
	s0 =	simm.s32 @p1 $0x1  }
0x15: {  	[smem:$0x3FB9] =	sst s0;
	s0 =	simm.s32 @!p2 $0x0  }
0x16: {  	s3 =	sld [smem:$0x3FDB];
	s0 =	simm.s32 @p2 $0x1  }
0x17: {  	s4 =	simm.s32 $0x1BF5;
	[smem:$0x3FBB] =	sst s0  }
0x18: {  	s0 =	sld [smem:$0x3F9E];
	_ =	swait.ge [sflag:s4], $0x0  }
0x19: {  	s7 =	sld [smem:$0x3F9F]  }
0x1a: {  	s8 =	sadd.s32 $0xFFFFE003, lr  }
0x1b: {  	s9 =	sadd.s32 $0xFFFFFEF7, lr;
	s5 =	simm.s32 $0xFFFFFFFF;
	p2 =	slt.u32 s8, $0xFFFFF086  }
0x1c: {  	p1 =	slt.u32 s9, $0xF7A;
	s5 =	simm.s32 @!p2 $0x0  }
0x1d: {  	s5 =	simm.s32 @p1 $0x1;
	p0 =	seq.s32 s7, s2  }
0x1e: {  	s7 =	smul.u32 @!p0 $0xF7A, s2;
	p2 =	seq.s32 @!p0 s5, $0x0  }
0x1f: {  	s9 =	smul.u32 $0xF7A, s1;
	s8 =	simm.s32 @!p0 $0x1BF5;
	p2 =	por !p2, p0  }
0x20: {  	[sflag:s8] =	ssyncset.s32 @!p0 $0xFFFFF086;
	s6 =	sadd.s32 @!p0 s3, s7;
	s7 =	simm.s32 @!p0 $0x108  }
0x21: {  	s3 =	sadd.s32 s3, s9;
	s6 =	sadd.s32 @!p0 $0x88, s6;
	s7 =	simm.s32 @p2 $0x1082  }
0x22: {  	[simem:s7], [sflag:s8] =	dma.local @!p0 [hbm:s6], $0xF7A  }
0x23: {  	s9 =	sor.u32 $0xD0000000, s2;
	s6 =	simm.s32 $0x108;
	_ =	swait.ge @!p0 [sflag:s8], $0x0  }
0x24: {  	s3 =	sadd.s32 $0x88, s3;
	s6 =	simm.s32 @!p1 $0x1082;
	[sflag:s4] =	ssyncset.s32 $0xFFFFF086  }
0x25: {  	[simem:s6], [sflag:s4] =	dma.local [hbm:s3], $0xF7A  }
0x26: {  	[smem:$0x3F9F] =	sst s1;
	(tag) =	ssettag s2;
	_ =	strace s9  }
0x27: {  	s1 =	sld [smem:$0x3FAF]  }
0x28: {  	s2 =	sld [smem:$0x3FB0]  }
0x29: {  	s4 =	sld [smem:$0x3FB2]  }
0x2a: {  	p0 =	seq.s32 s5, $0x0;
	s5 =	sld [smem:$0x3FB3]  }
0x2b: {  	s6 =	sld [smem:$0x3FB4]  }
0x2c: {  	s7 =	sld [smem:$0x3FB5]  }
0x2d: {  	s3 =	simm.s32 $0x108;
	s8 =	sld [smem:$0x3FB6]  }
0x2e: {  	s3 =	simm.s32 @!p0 $0x1082;
	s9 =	sld [smem:$0x3FB7]  }
0x2f: {  	lr =	sadd.s32 s0, s3;
	s0 =	sld [smem:$0x3FAE]  }
0x30: {  	s3 =	sld [smem:$0x3FB1]  }
0x31: {  	[smem:$0x3FBA] =	sst s10  }
0x32: {  	s10 =	sld [smem:$0x3FB8];
	_ =	sdelay $0x3  }
0x33: {  	p0 =	seq.s32 s10, $0x1;
	s10 =	sld [smem:$0x3FBA];
	_ =	sdelay $0x3  }
0x34: {  	[smem:$0x3FBA] =	sst s10  }
0x35: {  	s10 =	sld [smem:$0x3FB9];
	_ =	sdelay $0x3  }
0x36: {  	p1 =	seq.s32 s10, $0x1;
	s10 =	sld [smem:$0x3FBA];
	_ =	sdelay $0x3  }
0x37: {  	[smem:$0x3FBA] =	sst s10  }
0x38: {  	s10 =	sld [smem:$0x3FBB]  }
0x39: {  	_ = 	snop;
	(pc) =	sbr.ind lr, $3  }
0x3a: {  	_ = 	snop  }
0x3b: {  	_ = 	snop  }
0x3c: {  	p2 =	seq.s32 s10, $0x1;
	s10 =	sld [smem:$0x3FBA]  }
0x3d: {  	_ =	shalt  }
0x3e: {  	_ =	shalt  }
0x3f: {  	_ =	shalt  }
0x40: {  	_ =	shalt  }
0x41: {  	_ =	shalt  }
0x42: {  	_ =	shalt  }
0x43: {  	_ =	shalt  }
0x44: {  	_ =	shalt  }
0x45: {  	_ =	shalt  }
0x46: {  	_ =	shalt  }
0x47: {  	_ =	shalt  }
0x48: {  	_ =	shalt  }
0x49: {  	_ =	shalt  }
0x4a: {  	_ =	shalt  }
0x4b: {  	_ =	shalt  }
0x4c: {  	_ =	shalt  }
0x4d: {  	_ =	shalt  }
0x4e: {  	_ =	shalt  }
0x4f: {  	_ =	shalt  }
0x50: {  	_ =	shalt  }
0x51: {  	_ =	shalt  }
0x52: {  	_ =	shalt  }
0x53: {  	_ =	shalt  }
0x54: {  	_ =	shalt  }
0x55: {  	_ =	shalt  }
0x56: {  	_ =	shalt  }
0x57: {  	_ =	shalt  }
0x58: {  	_ =	shalt  }
0x59: {  	_ =	shalt  }
0x5a: {  	_ =	shalt  }
0x5b: {  	_ =	shalt  }
0x5c: {  	_ =	shalt  }
0x5d: {  	_ =	shalt  }
0x5e: {  	_ =	shalt  }
0x5f: {  	_ =	shalt  }
0x60: {  	_ =	shalt  }
0x61: {  	_ =	shalt  }
0x62: {  	_ =	shalt  }
0x63: {  	_ =	shalt  }
0x64: {  	_ =	shalt  }
0x65: {  	_ =	shalt  }
0x66: {  	_ =	shalt  }
0x67: {  	_ =	shalt  }
0x68: {  	_ =	shalt  }
0x69: {  	_ =	shalt  }
0x6a: {  	_ =	shalt  }
0x6b: {  	_ =	shalt  }
0x6c: {  	_ =	shalt  }
0x6d: {  	_ =	shalt  }
0x6e: {  	_ =	shalt  }
0x6f: {  	_ =	shalt  }
0x70: {  	_ =	shalt  }
0x71: {  	_ =	shalt  }
0x72: {  	_ =	shalt  }
0x73: {  	_ =	shalt  }
0x74: {  	_ =	shalt  }
0x75: {  	_ =	shalt  }
0x76: {  	_ =	shalt  }
0x77: {  	_ =	shalt  }
0x78: {  	_ =	shalt  }
0x79: {  	_ =	shalt  }
0x7a: {  	_ =	shalt  }
0x7b: {  	_ =	shalt  }
0x7c: {  	_ =	shalt  }
0x7d: {  	_ =	shalt  }
0x7e: {  	_ =	shalt  }
0x7f: {  	_ =	shalt  }
0x80: {  	_ =	shalt  }
0x81: {  	_ =	shalt  }
0x82: {  	_ =	shalt  }
0x83: {  	_ =	shalt  }
0x84: {  	_ =	shalt  }
0x85: {  	_ =	shalt  }
0x86: {  	_ =	shalt  }
0x87: {  	_ =	shalt  }
.Lfunc_end0:
.L_simem_size_0:
called_computation_lowered:
.L_overlay_start_0:
0x88: {  	s2 =	sld [smem:$0x3FD9]  }
0x89: {  	s3 =	sld [smem:$0x3FFE];
	_ =	sdelay $0x1  }
0x8a: {  	s1 =	srdreg.scid  }
0x8b: {  	s0 =	sand.u32 $0x1, s1  }
0x8c: {  	s17 =	sshll.u32 s0, $0xA;
	s2 =	sadd.s32 s3, s2  }
0x8d: {  	s2 =	sadd.s32 s2, s17  }
0x8e: {  	[smem:$0x3FC6] =	sst s2  }
0x8f: {  	_ = 	snop  }
0x90: {  	s2 =	sld [smem:$0x3FC9]  }
0x91: {  	s18 =	sld [smem:$0x3FD0];
	(tm) =	ssettm $0x1  }
0x92: {  	s4 =	sld [smem:$0x3FFB];
	_ =	sdelay $0x3  }
0x93: {  	_ =	strace s4  }
0x94: {  	s4 =	sld [smem:$0x3FFC];
	_ =	sdelay $0x3  }
0x95: {  	_ =	strace s4  }
0x96: {  	s4 =	sld [smem:$0x3FFD];
	_ =	sdelay $0x3  }
0x97: {  	_ =	strace s4  }
0x98: {  	_ =	strace $0x8FFFFFFF  }
0x99: {  	s19 =	sld [smem:$0x3FDB];
	_ =	sdelay $0x1  }
0x9a: {  	s5 =	simm.s32 $_scs_section_size  }
0x9b: {  	s6 =	simm.s32 $_size__tile_overlayer_lowered;
	s7 =	simm.s32 $_tile_overlayer_lowered  }
0x9c: {  	s22 =	simm.s32 $0x1BFF;
	s21 =	sshll.u32 s7, $0x1;
	s4 =	sadd.s32 s5, s19  }
0x9d: {  	s8 =	simm.s32 $0x0;
	s20 =	sshll.u32 s6, $0x1;
	s6 =	sadd.s32 s21, s4  }
0x9e: {  	[timem:s8], [sflag:s22] =	dma.local [hbm:s6], s20  }
0x9f: {  	_ =	swait.ge [sflag:s22], s20  }
0xa0: {  	s5 =	ssub.s32 $0x0, s20;
	[sflag:s22] =	ssyncset.done $0x0  }
0xa1: {  	[sflag:s22] =	ssyncadd.s32 s5;
	_ =	sdelay $0x1  }
0xa2: {  	s23 =	simm.s32 $0x1B8B  }
0xa3: {  	_ =	swait.ge [sflag:s23], $0x1  }
0xa4: {  	[sflag:s23] =	ssyncset.done $0x0  }
0xa5: {  	s25 =	simm.s32 $0x1B8E;
	s24 =	sld [smem:$0x3FFE];
	[sflag:s23] =	ssyncadd.s32 $0xFFFFFFFF  }
0xa6: {  	s26 =	simm.s32 $execute0_lowered;
	[smem:$0x3FD2] =	sst s25  }
0xa7: {  	s6 =	sshll.u32 s26, $0x1;
	_ =	strace $0x80000046;
	[dreg:$0x1] =	wrdreg $0xFFFFFFFF  }
0xa8: {  	s28 =	simm.s32 $_size_execute0_lowered;
	s4 =	sadd.s32 s4, s6;
	[dreg:$0x0] =	wrdreg $0x0  }
0xa9: {  	s6 =	sshll.u32 s28, $0x1;
	[dreg:$0x2] =	wrdreg s4  }
0xaa: {  	[dreg:$0x3] =	wrdreg s6  }
0xab: {  	[dreg:$0x4] =	wrdreg $0xC0  }
0xac: {  	_ =	task [dreg:s8], $0x5FFFF  }
0xad: {  	[dreg:$0x1] =	wrdreg $0xFFFFFFFF  }
0xae: {  	[dreg:$0x0] =	wrdreg $0x60  }
0xaf: {  	[dreg:$0x2] =	wrdreg s24  }
0xb0: {  	[dreg:$0x3] =	wrdreg s2  }
0xb1: {  	[dreg:$0x4] =	wrdreg s18  }
0xb2: {  	[dreg:$0x5] =	wrdreg $0x9  }
0xb3: {  	_ =	task.clear_ibuf [dreg:s8], $0x6FFFF;
	_ =	strace $0x90000046  }
0xb4: {  	s29 =	simm.s32 $0x9;
	_ =	strace $0x80000048  }
0xb5: {  	_ =	swait.ge [sflag:s29], $0x1  }
0xb6: {  	[sflag:s29] =	ssyncadd.s32 $0xFFFFFFFF  }
0xb7: {  	_ =	strace $0x90000048  }
0xb8: {  	_ =	sfence  }
0xb9: {  	s30 =	sld [smem:$0x0];
	_ =	sdelay $0x2  }
0xba: {  	s31 =	sshll.u32 s1, $0xD;
	s1 =	sshrl.u32 s1, $0x2  }
0xbb: {  	s3 =	sand.u32 $0x4000, s31;
	s1 =	sadd.s32 s1, s30  }
0xbc: {  	s0 =	sor.u32 s3, s0;
	s1 =	sshll.u32 s1, $0x11  }
0xbd: {  	s0 =	sor.u32 s1, s0  }
0xbe: {  	s0 =	sadd.s32 $0x8F2B, s0  }
0xbf: {  	[sflag:s0] =	ssyncadd.remote.s32 $0x1  }
0xc0: {  	_ =	sfence.sel $0xFFFF  }
0xc1: {  	[dreg:$0x0] =	wrdreg $0xFFFFFFFF;
	(pc) =	sbr.abs _section_cstart, $3  }
0xc2: {  	[dreg:$0x1] =	wrdreg $0xFFFFFFFF  }
0xc3: {  	_ =	task.clear_ibuf [dreg:s8], $0x2FFFF;
	_ =	strace $0x9FFFFFFF  }
0xc4: {  	(tm) =	ssettm $0x7FFFFFFF  }
0xc5: {  	_ =	shalt  }
tec
execute0_lowered:
.L_overlay_start_1:
0x0: {  	(tag) =	ssettag $0x1  }
0x1: {  	s0 =	rddreg [dreg:$0x0]  }
0x2: {  	s1 =	rddreg [dreg:$0x1]  }
0x3: {  	s2 =	rddreg [dreg:$0x2];
	s4 =	srdreg.scid;
	s3 =	simm.s32 $0x0  }
0x4: {  	s5 =	stileid.u32;
	s11 =	simm.s32 $0x4;
	s12 =	simm.s32 $0x80  }
0x5: {  	s16 =	simm.s32 $0x8400;
	s17 =	simm.s32 $0x180;
	s18 =	simm.s32 $0x9400  }
0x6: {  	s19 =	simm.s32 $0xA400;
	s20 =	simm.s32 $0xB400;
	s21 =	simm.s32 $0xC400  }
0x7: {  	s22 =	simm.s32 $0xD400;
	s23 =	simm.s32 $0x1;
	s24 =	simm.s32 $0xE400  }
0x8: {  	s25 =	simm.s32 $0x12800;
	s26 =	simm.s32 $0x2;
	s28 =	simm.s32 $0x3  }
0x9: {  	s29 =	simm.s32 $0x0;
	s4 =	sand.u32 $0x1, s4;
	[smem:$0x7FF] =	sst s3  }
0xa: {  	v0 =	vlaneseq.u32;
	s5 =	sshll.u32 s5, $0xB;
	s6 =	sshll.u32 s4, $0xA;
	s7 =	ssub.s32 $0x2, s4  }
0xb: {  	v0 =	vmul.u32 $0x88, v0;
	_ =	strace $0x80000047;
	s4 =	sor.u32 s6, s5;
	s31 =	sshrl.u32 s7, $0x1  }
0xc: {  	s5 =	sadd.s32 $0xF42800, s0;
	s6 =	sshrl.u32 s4, $0x3;
	s0 =	ssub.s32 s7, s31  }
0xd: {  	v1 =	vadd.s32 $0x880, v0;
	s7 =	sadd.s32 $0x10000, s2;
	s6 =	sadd.s32 s1, s6;
	s8 =	smax.u32 s0, $0x1  }
.LBB2_1:
0xe: {  	s0 =	simm.s32 $0x400;
	s1 =	simm.s32 $0x8000  }
0xf: {  	[tilespmem:s3], [sflag:$0x4] =	stream.strided.gather [hbm4b:s6+s0], $0x6400, s1, s0, $0x38;
	[tilespmem:$0x16C00] =	vst v63  }
0x10: {  	_ =	swait.ge [sflag:s11], $0x6400  }
0x11: {  	[sflag:s11] =	ssyncset.done $0x0  }
0x12: {  	s14 =	simm.s32 $0x6400;
	[sflag:s11] =	ssyncadd.s32 $0xFFFF9C00  }
0x13: {  	[tilespmem:s14], [sflag:$0x1] =	stream.indirect.gather [hbm4b:s5+s12], $0x20, s3, s12, $0xb8;
	[tilespmem:$0x16C00] =	vst v63  }
0x14: {  	s15 =	simm.s32 $0x7400  }
0x15: {  	[tilespmem:s15], [sflag:$0x1] =	stream.indirect.gather [hbm4b:s5+s12], $0x20, s12, s12, $0xb8;
	[tilespmem:$0x16C00] =	vst v63  }
0x16: {  	s31 =	simm.s32 $0x100  }
0x17: {  	[tilespmem:s16], [sflag:$0x1] =	stream.indirect.gather [hbm4b:s5+s12], $0x20, s31, s12, $0xb8;
	[tilespmem:$0x16C00] =	vst v63  }
0x18: {  	s30 =	simm.s32 $0x0  }
0x19: {  	[tilespmem:s18], [sflag:$0x1] =	stream.indirect.gather [hbm4b:s5+s12], $0x20, s17, s12, $0xb8;
	[tilespmem:$0x16C00] =	vst v63  }
.LBB2_2:
0x1a: {  	p0 =	seq.s32 s30, $0x0  }
0x1b: {  	s0 =	simm.s32 @!p0 $0x3  }
0x1c: {  	s1 =	sshll.u32 s30, $0xA;
	_ =	swait.ge @!p0 [sflag:s0], $0x4000  }
0x1d: {  	s31 =	sand.u32 $0x3FFFFC00, s1;
	[sflag:s0] =	ssyncset.done @!p0 $0x0  }
0x1e: {  	s1 =	sor.u32 $0x200, s31;
	[sflag:s0] =	ssyncadd.s32 @!p0 $0xFFFFC000  }
0x1f: {  	[tilespmem:s19], [sflag:$0x1] =	stream.indirect.gather [hbm4b:s5+s12], $0x20, s1, s12, $0xb8;
	[tilespmem:$0x16C00] =	vst v63  }
0x20: {  	s9 =	sor.u32 $0x280, s31  }
0x21: {  	[tilespmem:s20], [sflag:$0x1] =	stream.indirect.gather [hbm4b:s5+s12], $0x20, s9, s12, $0xb8;
	[tilespmem:$0x16C00] =	vst v63  }
0x22: {  	s10 =	sor.u32 $0x300, s31  }
0x23: {  	[tilespmem:s21], [sflag:$0x1] =	stream.indirect.gather [hbm4b:s5+s12], $0x20, s10, s12, $0xb8;
	[tilespmem:$0x16C00] =	vst v63  }
0x24: {  	s14 =	simm.s32 $0x0;
	s13 =	sor.u32 $0x380, s31  }
0x25: {  	v2 =	vmov s14;
	[tilespmem:s22], [sflag:$0x1] =	stream.indirect.gather [hbm4b:s5+s12], $0x20, s13, s12, $0xb8;
	[tilespmem:$0x16C00] =	vst v63  }
0x26: {  	v2 =	vmul.u32 $0x1100, v2;
	_ =	swait.ge [sflag:s23], $0x4000  }
0x27: {  	s15 =	simm.s32 $0x0;
	[sflag:s23] =	ssyncset.done $0x0  }
0x28: {  	v3 =	vmov s15;
	v2 =	vbroadcast v2, $0x0;
	s1 =	simm.s32 @!p0 $0x2;
	[sflag:s23] =	ssyncadd.s32 $0xFFFFC000  }
0x29: {  	v4 =	vand.u32 $0x78, v3;
	_ =	swait.ge @!p0 [sflag:s1], $0x4000  }
0x2a: {  	v3 =	vand.u32 $0x7, v3;
	v2 =	vor.u32 v2, v4;
	[sflag:s1] =	ssyncset.done @!p0 $0x0  }
0x2b: {  	v4 =	vor.u32 v3, v2;
	s10 =	simm.s32 $0x0;
	[sflag:s1] =	ssyncadd.s32 @!p0 $0xFFFFC000;
	s1 =	simm.s32 $0x6410  }
0x2c: {  	s0 =	sshll.u32 s30, $0x14;
	s9 =	simm.s32 $0x1;
	v3 =	vadd.s32 v0, v4;
	v5 =	vmov s10;
	s10 =	simm.s32 $0x2;
	v2 =	vld [tilespmem:s1+$0xFFFFFFF0]  }
.LBB2_3:
0x2d: {  	p0 =	sne.s32 s10, $0x1FF;
	v5 =	vmul.u32 $0x1100, v5;
	v6 =	vld [tilespmem:s1+$0x0];
	v7 =	vadd.s32 v1, v4;
	_ =	sdelay $0x1  }
.Ltmp0:
0x2e: {  	v4 =	vmov s9;
	s9 =	smov.u32 s10;
	v5 =	vbroadcast v5, $0x0;
	(pc) =	sbr.rel @p0 .LBB2_3-.Ltmp0, $4  }
0x2f: {  	v8 =	vand.u32 $0x78, v4  }
0x30: {  	v4 =	vand.u32 $0x7, v4;
	v5 =	vor.u32 v5, v8;
	[tilespmem:v3+s24+$0x0] =	vst.idx.msk $0xffff, v2  }
0x31: {  	s13 =	sshrl.u32 s10, $0x7;
	s1 =	sadd.s32 $0x20, s1;
	v4 =	vor.u32 v4, v5;
	[tilespmem:v7+s24+$0x0] =	vst.idx.msk $0xffff, v6  }
0x32: {  	s10 =	sadd.s32 $0x1, s10;
	v5 =	vmov s13;
	v2 =	vld [tilespmem:s1+$0xFFFFFFF0];
	v3 =	vadd.s32 v0, v4  }
0x33: {  	v5 =	vmul.u32 $0x1100, v5;
	v6 =	vld [tilespmem:s1+$0x0];
	v4 =	vadd.s32 v1, v4;
	_ =	sdelay $0x1  }
0x34: {  	v7 =	vmov s9;
	v5 =	vbroadcast v5, $0x0  }
0x35: {  	v8 =	vand.u32 $0x78, v7  }
0x36: {  	v7 =	vand.u32 $0x7, v7;
	v5 =	vor.u32 v5, v8;
	[tilespmem:v3+s24+$0x0] =	vst.idx.msk $0xffff, v2  }
0x37: {  	s9 =	sadd.s32 $0x20, s1;
	v2 =	vor.u32 v7, v5;
	[tilespmem:v4+s24+$0x0] =	vst.idx.msk $0xffff, v6  }
0x38: {  	v3 =	vld [tilespmem:s9+$0xFFFFFFF0];
	v62 =	vadd.s32 v0, v2  }
0x39: {  	v63 =	vld [tilespmem:s9+$0x0];
	v2 =	vadd.s32 v1, v2;
	_ =	sdelay $0x2  }
0x3a: {  	s0 =	sor.u32 s4, s0  }
0x3b: {  	s0 =	sshrl.u32 s0, $0x3;
	[tilespmem:v62+s24+$0x0] =	vst.idx.msk $0xffff, v3  }
0x3c: {  	s10 =	simm.s32 $0xE400;
	s9 =	sadd.s32 s2, s0;
	[tilespmem:v2+s24+$0x0] =	vst.idx.msk $0xffff, v63  }
0x3d: {  	[hbm4b:s9+s3] =	stream.linear.scatter [tilespmem:s10], [sflag:$0x2], $0x80, $0x38;
	[tilespmem:$0x16C00] =	vst v63  }
0x3e: {  	s13 =	simm.s32 $0xE488;
	s10 =	sadd.s32 $0x10, s9  }
0x3f: {  	[hbm4b:s10+s3] =	stream.linear.scatter [tilespmem:s13], [sflag:$0x2], $0x80, $0x38;
	[tilespmem:$0x16C00] =	vst v63  }
0x40: {  	s14 =	simm.s32 $0xE510;
	s15 =	sadd.s32 $0x20, s9  }
0x41: {  	[hbm4b:s15+s3] =	stream.linear.scatter [tilespmem:s14], [sflag:$0x2], $0x80, $0x38;
	[tilespmem:$0x16C00] =	vst v63  }
0x42: {  	s10 =	simm.s32 $0xE598;
	s13 =	sadd.s32 $0x30, s9  }
0x43: {  	[hbm4b:s13+s3] =	stream.linear.scatter [tilespmem:s10], [sflag:$0x2], $0x80, $0x38;
	[tilespmem:$0x16C00] =	vst v63  }
0x44: {  	s14 =	simm.s32 $0xE620;
	s15 =	sadd.s32 $0x40, s9  }
0x45: {  	[hbm4b:s15+s3] =	stream.linear.scatter [tilespmem:s14], [sflag:$0x2], $0x80, $0x38;
	[tilespmem:$0x16C00] =	vst v63  }
0x46: {  	s1 =	simm.s32 $0x440;
	s10 =	simm.s32 $0xE6A8;
	s13 =	sadd.s32 $0x50, s9  }
0x47: {  	[hbm4b:s13+s3] =	stream.linear.scatter [tilespmem:s10], [sflag:$0x2], $0x80, $0x38;
	[tilespmem:$0x16C00] =	vst v63  }
0x48: {  	s14 =	simm.s32 $0xE730;
	s15 =	sadd.s32 $0x60, s9;
	s10 =	simm.s32 $0x2200  }
0x49: {  	[hbm4b:s15+s3] =	stream.linear.scatter [tilespmem:s14], [sflag:$0x2], $0x80, $0x38;
	[tilespmem:$0x16C00] =	vst v63  }
0x4a: {  	s13 =	simm.s32 $0xE7B8;
	s14 =	sadd.s32 $0x70, s9;
	s9 =	sadd.s32 $0x1000, s9  }
.LBB2_5:
0x4b: {  	[hbm4b:s14+s3] =	stream.linear.scatter [tilespmem:s13], [sflag:$0x2], $0x80, $0x38;
	[tilespmem:$0x16C00] =	vst v63  }
0x4c: {  	s13 =	smov.u32 s1;
	s1 =	smov.u32 s10  }
0x4d: {  	s15 =	sadd.s32 $0x1100, s10;
	s1 =	sshra.s32 s1, $0x2;
	s14 =	sadd.s32 $0xE400, s13  }
0x4e: {  	[hbm4b:s9+s3] =	stream.linear.scatter [tilespmem:s14], [sflag:$0x2], $0x80, $0x38;
	[tilespmem:$0x16C00] =	vst v63  }
0x4f: {  	p0 =	sne.s32 s10, $0xFF00;
	s10 =	sadd.s32 $0xE488, s13;
	s14 =	sadd.s32 $0x10, s9  }
0x50: {  	[hbm4b:s14+s3] =	stream.linear.scatter [tilespmem:s10], [sflag:$0x2], $0x80, $0x38;
	[tilespmem:$0x16C00] =	vst v63  }
0x51: {  	s10 =	sadd.s32 $0xE510, s13;
	s14 =	sadd.s32 $0x20, s9  }
0x52: {  	[hbm4b:s14+s3] =	stream.linear.scatter [tilespmem:s10], [sflag:$0x2], $0x80, $0x38;
	[tilespmem:$0x16C00] =	vst v63  }
0x53: {  	s10 =	sadd.s32 $0xE598, s13;
	s14 =	sadd.s32 $0x30, s9  }
0x54: {  	[hbm4b:s14+s3] =	stream.linear.scatter [tilespmem:s10], [sflag:$0x2], $0x80, $0x38;
	[tilespmem:$0x16C00] =	vst v63  }
0x55: {  	s10 =	sadd.s32 $0xE620, s13;
	s14 =	sadd.s32 $0x40, s9  }
0x56: {  	[hbm4b:s14+s3] =	stream.linear.scatter [tilespmem:s10], [sflag:$0x2], $0x80, $0x38;
	[tilespmem:$0x16C00] =	vst v63  }
.Ltmp1:
0x57: {  	s10 =	sadd.s32 $0xE6A8, s13;
	s14 =	sadd.s32 $0x50, s9;
	(pc) =	sbr.rel @p0 .LBB2_5-.Ltmp1, $4  }
0x58: {  	[hbm4b:s14+s3] =	stream.linear.scatter [tilespmem:s10], [sflag:$0x2], $0x80, $0x38;
	[tilespmem:$0x16C00] =	vst v63  }
0x59: {  	s10 =	sadd.s32 $0xE730, s13;
	s14 =	sadd.s32 $0x60, s9;
	s13 =	sadd.s32 $0xE7B8, s13  }
0x5a: {  	[hbm4b:s14+s3] =	stream.linear.scatter [tilespmem:s10], [sflag:$0x2], $0x80, $0x38;
	[tilespmem:$0x16C00] =	vst v63  }
0x5b: {  	s14 =	sadd.s32 $0x70, s9;
	s9 =	sadd.s32 $0x1000, s9;
	s10 =	smov.u32 s15  }
0x5c: {  	[hbm4b:s14+s3] =	stream.linear.scatter [tilespmem:s13], [sflag:$0x2], $0x80, $0x38;
	[tilespmem:$0x16C00] =	vst v63  }
0x5d: {  	s10 =	sadd.s32 $0xE400, s1  }
0x5e: {  	[hbm4b:s9+s3] =	stream.linear.scatter [tilespmem:s10], [sflag:$0x2], $0x80, $0x38;
	[tilespmem:$0x16C00] =	vst v63  }
0x5f: {  	s14 =	sadd.s32 $0xE488, s1;
	s15 =	sadd.s32 $0x10, s9  }
0x60: {  	[hbm4b:s15+s3] =	stream.linear.scatter [tilespmem:s14], [sflag:$0x2], $0x80, $0x38;
	[tilespmem:$0x16C00] =	vst v63  }
0x61: {  	s14 =	sadd.s32 $0xE510, s1;
	s15 =	sadd.s32 $0x20, s9  }
0x62: {  	[hbm4b:s15+s3] =	stream.linear.scatter [tilespmem:s14], [sflag:$0x2], $0x80, $0x38;
	[tilespmem:$0x16C00] =	vst v63  }
0x63: {  	s14 =	sadd.s32 $0xE598, s1;
	s15 =	sadd.s32 $0x30, s9  }
0x64: {  	[hbm4b:s15+s3] =	stream.linear.scatter [tilespmem:s14], [sflag:$0x2], $0x80, $0x38;
	[tilespmem:$0x16C00] =	vst v63  }
0x65: {  	s14 =	sadd.s32 $0xE620, s1;
	s15 =	sadd.s32 $0x40, s9  }
0x66: {  	[hbm4b:s15+s3] =	stream.linear.scatter [tilespmem:s14], [sflag:$0x2], $0x80, $0x38;
	[tilespmem:$0x16C00] =	vst v63  }
0x67: {  	s14 =	sadd.s32 $0xE6A8, s1;
	s15 =	sadd.s32 $0x50, s9  }
0x68: {  	[hbm4b:s15+s3] =	stream.linear.scatter [tilespmem:s14], [sflag:$0x2], $0x80, $0x38;
	[tilespmem:$0x16C00] =	vst v63  }
0x69: {  	s14 =	sadd.s32 $0xE730, s1;
	s15 =	sadd.s32 $0x60, s9  }
0x6a: {  	[hbm4b:s15+s3] =	stream.linear.scatter [tilespmem:s14], [sflag:$0x2], $0x80, $0x38;
	[tilespmem:$0x16C00] =	vst v63  }
0x6b: {  	s13 =	sadd.s32 $0x70, s9;
	p0 =	seq.s32 s30, $0x18;
	s10 =	sadd.s32 $0xE7B8, s1  }
0x6c: {  	[hbm4b:s13+s3] =	stream.linear.scatter [tilespmem:s10], [sflag:$0x2], $0x80, $0x38;
	[tilespmem:$0x16C00] =	vst v63  }
0x6d: {  	s1 =	sadd.s32 @!p0 $0x400, s31;
	s9 =	simm.s32 @!p0 $0x80;
	s10 =	simm.s32 @!p0 $0x6400  }
0x6e: {  	[tilespmem:s10], [sflag:$0x1] =	stream.indirect.gather @!p0 [hbm4b:s5+s9], $0x20, s1, s9, $0xb8;
	[tilespmem:$0x16C00] =	vst v63  }
0x6f: {  	s14 =	simm.s32 $0x0;
	s1 =	sadd.s32 @!p0 $0x480, s31;
	s10 =	simm.s32 @!p0 $0x7400  }
0x70: {  	[tilespmem:s10], [sflag:$0x1] =	stream.indirect.gather @!p0 [hbm4b:s5+s9], $0x20, s1, s9, $0xb8;
	[tilespmem:$0x16C00] =	vst v63  }
0x71: {  	v2 =	vmov s14;
	s13 =	simm.s32 @!p0 $0x8400;
	s10 =	sadd.s32 @!p0 $0x500, s31  }
0x72: {  	v2 =	vmul.u32 $0x1100, v2;
	[tilespmem:s13], [sflag:$0x1] =	stream.indirect.gather @!p0 [hbm4b:s5+s9], $0x20, s10, s9, $0xb8;
	[tilespmem:$0x16C00] =	vst v63  }
0x73: {  	s15 =	simm.s32 $0x0;
	s1 =	sadd.s32 @!p0 $0x580, s31;
	s10 =	simm.s32 @!p0 $0x9400  }
0x74: {  	v3 =	vmov s15;
	v2 =	vbroadcast v2, $0x0;
	[tilespmem:s10], [sflag:$0x1] =	stream.indirect.gather @!p0 [hbm4b:s5+s9], $0x20, s1, s9, $0xb8;
	[tilespmem:$0x16C00] =	vst v63  }
0x75: {  	v4 =	vand.u32 $0x78, v3;
	_ =	swait.ge [sflag:s23], $0x4000  }
0x76: {  	v3 =	vand.u32 $0x7, v3;
	v2 =	vor.u32 v2, v4;
	[sflag:s23] =	ssyncset.done $0x0  }
0x77: {  	s31 =	simm.s32 $0x0;
	v4 =	vor.u32 v3, v2;
	s1 =	simm.s32 $0xA410;
	[sflag:s23] =	ssyncadd.s32 $0xFFFFC000  }
0x78: {  	v5 =	vmov s31;
	v3 =	vadd.s32 v0, v4;
	s9 =	simm.s32 $0x1;
	s10 =	simm.s32 $0x2;
	v2 =	vld [tilespmem:s1+$0xFFFFFFF0]  }
.LBB2_7:
0x79: {  	p0 =	sne.s32 s10, $0x1FF;
	v5 =	vmul.u32 $0x1100, v5;
	v6 =	vld [tilespmem:s1+$0x0];
	v7 =	vadd.s32 v1, v4;
	_ =	sdelay $0x1  }
.Ltmp2:
0x7a: {  	v4 =	vmov s9;
	s9 =	smov.u32 s10;
	v5 =	vbroadcast v5, $0x0;
	(pc) =	sbr.rel @p0 .LBB2_7-.Ltmp2, $4  }
0x7b: {  	v8 =	vand.u32 $0x78, v4  }
0x7c: {  	v4 =	vand.u32 $0x7, v4;
	v5 =	vor.u32 v5, v8;
	[tilespmem:v3+s25+$0x0] =	vst.idx.msk $0xffff, v2  }
0x7d: {  	s13 =	sshrl.u32 s10, $0x7;
	s1 =	sadd.s32 $0x20, s1;
	v4 =	vor.u32 v4, v5;
	[tilespmem:v7+s25+$0x0] =	vst.idx.msk $0xffff, v6  }
0x7e: {  	s10 =	sadd.s32 $0x1, s10;
	v5 =	vmov s13;
	v2 =	vld [tilespmem:s1+$0xFFFFFFF0];
	v3 =	vadd.s32 v0, v4  }
0x7f: {  	v5 =	vmul.u32 $0x1100, v5;
	v6 =	vld [tilespmem:s1+$0x0];
	v4 =	vadd.s32 v1, v4;
	_ =	sdelay $0x1  }
0x80: {  	v7 =	vmov s9;
	v5 =	vbroadcast v5, $0x0  }
0x81: {  	v8 =	vand.u32 $0x78, v7  }
0x82: {  	v7 =	vand.u32 $0x7, v7;
	v5 =	vor.u32 v5, v8;
	[tilespmem:v3+s25+$0x0] =	vst.idx.msk $0xffff, v2  }
0x83: {  	s15 =	sadd.s32 $0x20, s1;
	v2 =	vor.u32 v7, v5;
	[tilespmem:v4+s25+$0x0] =	vst.idx.msk $0xffff, v6  }
0x84: {  	v3 =	vld [tilespmem:s15+$0xFFFFFFF0];
	v62 =	vadd.s32 v0, v2  }
0x85: {  	v63 =	vld [tilespmem:s15+$0x0];
	v2 =	vadd.s32 v1, v2;
	_ =	sdelay $0x3  }
0x86: {  	[tilespmem:v62+s25+$0x0] =	vst.idx.msk $0xffff, v3  }
0x87: {  	s1 =	sadd.s32 s0, s7;
	s31 =	simm.s32 $0x12800;
	[tilespmem:v2+s25+$0x0] =	vst.idx.msk $0xffff, v63  }
0x88: {  	[hbm4b:s1+s3] =	stream.linear.scatter [tilespmem:s31], [sflag:$0x3], $0x80, $0x38;
	[tilespmem:$0x16C00] =	vst v63  }
0x89: {  	s9 =	simm.s32 $0x12888;
	s10 =	sadd.s32 $0x10, s1  }
0x8a: {  	[hbm4b:s10+s3] =	stream.linear.scatter [tilespmem:s9], [sflag:$0x3], $0x80, $0x38;
	[tilespmem:$0x16C00] =	vst v63  }
0x8b: {  	s13 =	simm.s32 $0x12910;
	s0 =	simm.s32 $0x440;
	s14 =	sadd.s32 $0x20, s1  }
0x8c: {  	[hbm4b:s14+s3] =	stream.linear.scatter [tilespmem:s13], [sflag:$0x3], $0x80, $0x38;
	[tilespmem:$0x16C00] =	vst v63  }
0x8d: {  	s15 =	simm.s32 $0x12998;
	s31 =	sadd.s32 $0x30, s1;
	s9 =	simm.s32 $0x12A20  }
0x8e: {  	[hbm4b:s31+s3] =	stream.linear.scatter [tilespmem:s15], [sflag:$0x3], $0x80, $0x38;
	[tilespmem:$0x16C00] =	vst v63  }
0x8f: {  	s10 =	sadd.s32 $0x40, s1;
	s13 =	simm.s32 $0x12AA8;
	s14 =	sadd.s32 $0x50, s1  }
0x90: {  	[hbm4b:s10+s3] =	stream.linear.scatter [tilespmem:s9], [sflag:$0x3], $0x80, $0x38;
	[tilespmem:$0x16C00] =	vst v63  }
0x91: {  	s15 =	simm.s32 $0x12B30;
	s31 =	sadd.s32 $0x60, s1;
	s9 =	simm.s32 $0x2200  }
0x92: {  	[hbm4b:s14+s3] =	stream.linear.scatter [tilespmem:s13], [sflag:$0x3], $0x80, $0x38;
	[tilespmem:$0x16C00] =	vst v63  }
0x93: {  	s10 =	simm.s32 $0x12BB8;
	s13 =	sadd.s32 $0x70, s1;
	s1 =	sadd.s32 $0x1000, s1  }
0x94: {  	[hbm4b:s31+s3] =	stream.linear.scatter [tilespmem:s15], [sflag:$0x3], $0x80, $0x38;
	[tilespmem:$0x16C00] =	vst v63  }
.LBB2_9:
0x95: {  	[hbm4b:s13+s3] =	stream.linear.scatter [tilespmem:s10], [sflag:$0x3], $0x80, $0x38;
	[tilespmem:$0x16C00] =	vst v63  }
0x96: {  	s10 =	smov.u32 s0;
	s0 =	smov.u32 s9  }
0x97: {  	s14 =	sadd.s32 $0x1100, s9;
	s0 =	sshra.s32 s0, $0x2;
	s13 =	sadd.s32 $0x12800, s10  }
0x98: {  	[hbm4b:s1+s3] =	stream.linear.scatter [tilespmem:s13], [sflag:$0x3], $0x80, $0x38;
	[tilespmem:$0x16C00] =	vst v63  }
0x99: {  	p0 =	sne.s32 s9, $0xFF00;
	s9 =	sadd.s32 $0x12888, s10;
	s13 =	sadd.s32 $0x10, s1  }
0x9a: {  	[hbm4b:s13+s3] =	stream.linear.scatter [tilespmem:s9], [sflag:$0x3], $0x80, $0x38;
	[tilespmem:$0x16C00] =	vst v63  }
0x9b: {  	s9 =	sadd.s32 $0x12910, s10;
	s13 =	sadd.s32 $0x20, s1  }
0x9c: {  	[hbm4b:s13+s3] =	stream.linear.scatter [tilespmem:s9], [sflag:$0x3], $0x80, $0x38;
	[tilespmem:$0x16C00] =	vst v63  }
0x9d: {  	s9 =	sadd.s32 $0x12998, s10;
	s13 =	sadd.s32 $0x30, s1  }
0x9e: {  	[hbm4b:s13+s3] =	stream.linear.scatter [tilespmem:s9], [sflag:$0x3], $0x80, $0x38;
	[tilespmem:$0x16C00] =	vst v63  }
0x9f: {  	s9 =	sadd.s32 $0x12A20, s10;
	s13 =	sadd.s32 $0x40, s1  }
0xa0: {  	[hbm4b:s13+s3] =	stream.linear.scatter [tilespmem:s9], [sflag:$0x3], $0x80, $0x38;
	[tilespmem:$0x16C00] =	vst v63  }
.Ltmp3:
0xa1: {  	s9 =	sadd.s32 $0x12AA8, s10;
	s13 =	sadd.s32 $0x50, s1;
	(pc) =	sbr.rel @p0 .LBB2_9-.Ltmp3, $4  }
0xa2: {  	[hbm4b:s13+s3] =	stream.linear.scatter [tilespmem:s9], [sflag:$0x3], $0x80, $0x38;
	[tilespmem:$0x16C00] =	vst v63  }
0xa3: {  	s9 =	sadd.s32 $0x12B30, s10;
	s13 =	sadd.s32 $0x60, s1;
	s10 =	sadd.s32 $0x12BB8, s10  }
0xa4: {  	[hbm4b:s13+s3] =	stream.linear.scatter [tilespmem:s9], [sflag:$0x3], $0x80, $0x38;
	[tilespmem:$0x16C00] =	vst v63  }
0xa5: {  	s13 =	sadd.s32 $0x70, s1;
	s1 =	sadd.s32 $0x1000, s1;
	s9 =	smov.u32 s14  }
0xa6: {  	[hbm4b:s13+s3] =	stream.linear.scatter [tilespmem:s10], [sflag:$0x3], $0x80, $0x38;
	[tilespmem:$0x16C00] =	vst v63  }
0xa7: {  	s9 =	sadd.s32 $0x12800, s0  }
0xa8: {  	[hbm4b:s1+s3] =	stream.linear.scatter [tilespmem:s9], [sflag:$0x3], $0x80, $0x38;
	[tilespmem:$0x16C00] =	vst v63  }
0xa9: {  	s15 =	sadd.s32 $0x12888, s0;
	s31 =	sadd.s32 $0x10, s1  }
0xaa: {  	[hbm4b:s31+s3] =	stream.linear.scatter [tilespmem:s15], [sflag:$0x3], $0x80, $0x38;
	[tilespmem:$0x16C00] =	vst v63  }
0xab: {  	s13 =	sadd.s32 $0x12910, s0;
	s14 =	sadd.s32 $0x20, s1  }
0xac: {  	[hbm4b:s14+s3] =	stream.linear.scatter [tilespmem:s13], [sflag:$0x3], $0x80, $0x38;
	[tilespmem:$0x16C00] =	vst v63  }
0xad: {  	s15 =	sadd.s32 $0x12998, s0;
	s31 =	sadd.s32 $0x30, s1  }
0xae: {  	[hbm4b:s31+s3] =	stream.linear.scatter [tilespmem:s15], [sflag:$0x3], $0x80, $0x38;
	[tilespmem:$0x16C00] =	vst v63  }
0xaf: {  	s30 =	sadd.s32 $0x1, s30;
	s13 =	sadd.s32 $0x12A20, s0;
	s14 =	sadd.s32 $0x40, s1  }
0xb0: {  	[hbm4b:s14+s3] =	stream.linear.scatter [tilespmem:s13], [sflag:$0x3], $0x80, $0x38;
	[tilespmem:$0x16C00] =	vst v63  }
0xb1: {  	p0 =	sne.s32 s30, $0x19;
	s15 =	sadd.s32 $0x12AA8, s0;
	s31 =	sadd.s32 $0x50, s1  }
0xb2: {  	[hbm4b:s31+s3] =	stream.linear.scatter [tilespmem:s15], [sflag:$0x3], $0x80, $0x38;
	[tilespmem:$0x16C00] =	vst v63  }
.Ltmp4:
0xb3: {  	_ = 	snop;
	(pc) =	sbr.rel @p0 .LBB2_2-.Ltmp4, $4  }
0xb4: {  	s13 =	sadd.s32 $0x12B30, s0;
	s14 =	sadd.s32 $0x60, s1  }
0xb5: {  	[hbm4b:s14+s3] =	stream.linear.scatter [tilespmem:s13], [sflag:$0x3], $0x80, $0x38;
	[tilespmem:$0x16C00] =	vst v63  }
0xb6: {  	s15 =	sadd.s32 $0x12BB8, s0;
	s31 =	sadd.s32 $0x70, s1  }
0xb7: {  	[hbm4b:s31+s3] =	stream.linear.scatter [tilespmem:s15], [sflag:$0x3], $0x80, $0x38;
	[tilespmem:$0x16C00] =	vst v63  }
0xb8: {  	s29 =	sadd.s32 $0x1, s29  }
0xb9: {  	_ =	swait.ge [sflag:s26], $0x4000;
	p0 =	sne.s32 s29, s8  }
.Ltmp5:
0xba: {  	[sflag:s26] =	ssyncset.done $0x0;
	(pc) =	sbr.rel @p0 .LBB2_1-.Ltmp5, $4  }
0xbb: {  	[sflag:s26] =	ssyncadd.s32 $0xFFFFC000  }
0xbc: {  	_ =	swait.ge [sflag:s28], $0x4000  }
0xbd: {  	[sflag:s28] =	ssyncset.done $0x0  }
0xbe: {  	[sflag:s28] =	ssyncadd.s32 $0xFFFFC000  }
0xbf: {  	_ =	sfence.sel $0x180000  }
0xc0: {  	[bflag:$0x0] =	sbarrier.arrive $0xFFFF  }
0xc1: {  	_ =	strace $0x90000047  }
0xc2: {  	s0 =	stileid.u32;
	[bflag:$0x2] =	sbarrier.arrive $0xFFFF  }
0xc3: {  	p0 =	sne.s32 s0, $0x0;
	s0 =	rddreg [dreg:$0x3]  }
0xc4: {  	s0 =	sadd.s32 @!p0 $0x100000, s0  }
0xc5: {  	[sflag:s0] =	ssyncadd.tile.s32 @!p0 $0x1;
	_ =	shalt  }
.Lfunc_end2:
_tile_overlayer_lowered:
.L_overlay_start_2:
0xc6: {  	(tag) =	ssettag $0x2  }
0xc7: {  	s0 =	rddreg [dreg:$0x0];
	s2 =	stileid.u32  }
0xc8: {  	s1 =	rddreg [dreg:$0x1];
	p0 =	sne.s32 s2, $0x0  }
0xc9: {  	s3 =	rddreg [dreg:$0x2];
	[bflag:$0x3] =	sbarrier.arrive $0xFFFF;
	s2 =	simm.s32 @!p0 $0x1C04  }
0xca: {  	[timem:s3], [sflag:s2] =	dma.local @!p0 [hbm:s0], s1  }
0xcb: {  	s0 =	simm.s32 @!p0 $0x4  }
0xcc: {  	_ =	swait.ge @!p0 [sflag:s0], s1  }
0xcd: {  	s1 =	ssub.s32 @!p0 $0x0, s1;
	[sflag:s0] =	ssyncset.done @!p0 $0x0  }
0xce: {  	[sflag:s0] =	ssyncadd.s32 @!p0 s1  }
0xcf: {  	[bflag:$0x3] =	sbarrier.arrive $0xFFFF  }
0xd0: {  	_ =	shalt  }

</sc_bundles>
